<compile_context>
chip_gen: v7x
topology: tpu7x:2x2x1
jax: 0.10.2.dev20260603
libtpu: 0.0.44.dev20260713+nightly
codegen_flags: <defaults>
</compile_context>

<pallas_src>
import functools

import jax
import jax.numpy as jnp
from jax import lax
from jax.experimental import pallas as pl
from jax.experimental.pallas import tpu as pltpu
from jax.experimental.pallas import tpu_sc as plsc

N_NODES = 10000
N_PAD = 10240
WPS = 640
D_IN = 128
D_OUT = 16
PK = 128 // D_OUT
NR = N_NODES // PK
NRP = N_PAD // PK
E_EDGES = 320000
EB = 1000
NW = 32
RW = 10
EW = RW * EB
NB = 4


def _vec_mesh():
    return plsc.VectorSubcoreMesh(core_axis_name="c", subcore_axis_name="s")


_SC_PARAMS = pltpu.CompilerParams(use_tc_tiling_on_sc=False)


def _sc_degree(e3):

    @functools.partial(
        pl.kernel,
        out_type=jax.ShapeDtypeStruct((2 * N_PAD,), jnp.float32),
        mesh=_vec_mesh(),
        compiler_params=_SC_PARAMS,
        scratch_types=[
            pltpu.VMEM((RW, EB), jnp.int32),
            pltpu.VMEM((EB,), jnp.float32),
            pltpu.VMEM((WPS,), jnp.float32),
            pltpu.VMEM_SHARED((N_PAD,), jnp.float32),
        ],
    )
    def k(e_hbm, out_hbm, idx_v, ones_v, zero_v, deg_sp):
        cid = lax.axis_index("c")
        sid = lax.axis_index("s")
        w = sid * 2 + cid

        pltpu.sync_copy(e_hbm.at[1, pl.ds(w * RW, RW)], idx_v)

        @pl.loop(0, EB, step=16)
        def _(i):
            ones_v[pl.ds(i, 16)] = jnp.ones((16,), jnp.float32)

        @pl.loop(0, WPS, step=16)
        def _(i):
            zero_v[pl.ds(i, 16)] = jnp.zeros((16,), jnp.float32)

        pltpu.sync_copy(zero_v, deg_sp.at[pl.ds(sid * WPS, WPS)])
        plsc.subcore_barrier()

        @pl.loop(0, RW)
        def _(j):
            pltpu.sync_copy(ones_v, deg_sp.at[idx_v.at[j]], add=True)

        plsc.subcore_barrier()
        pltpu.sync_copy(deg_sp.at[pl.ds(sid * WPS, WPS)],
                        out_hbm.at[pl.ds(cid * N_PAD + sid * WPS, WPS)])

    return k(e3)


def _dinv_packed(d8_ref, nr):
    d = d8_ref[0, :nr, :] + d8_ref[1, :nr, :] + 1.0
    dinv = lax.rsqrt(d)
    aa = lax.broadcasted_iota(jnp.int32, (8, 128), 0)
    cc = lax.broadcasted_iota(jnp.int32, (8, 128), 1) // D_OUT
    expand = (aa == cc).astype(jnp.float32)
    return jnp.dot(dinv, expand, preferred_element_type=jnp.float32)


def _tc_matmul(x3, W2):

    def body(x_ref, w_ref, h_ref):
        h_ref[...] = jnp.dot(x_ref[...], w_ref[...],
                             preferred_element_type=jnp.float32)

    return pl.pallas_call(
        body,
        out_shape=jax.ShapeDtypeStruct((NR, PK * D_IN // 8), jnp.float32),
    )(x3, W2)


def _tc_scale(h2, deg8):

    def body(h_ref, d_ref, hs_ref):
        hs_ref[...] = h_ref[...] * _dinv_packed(d_ref, NR)

    return pl.pallas_call(
        body,
        out_shape=jax.ShapeDtypeStruct((NR, 128), jnp.float32),
    )(h2, deg8)


def _sc_aggregate(hs, e3):

    @functools.partial(
        pl.kernel,
        out_type=jax.ShapeDtypeStruct((2, N_PAD, D_OUT), jnp.float32),
        mesh=_vec_mesh(),
        compiler_params=_SC_PARAMS,
        scratch_types=[
            pltpu.VMEM((RW, EB), jnp.int32),
            pltpu.VMEM((RW, EB), jnp.int32),
            pltpu.VMEM((NB, EB, D_OUT), jnp.float32),
            pltpu.VMEM((WPS, D_OUT), jnp.float32),
            pltpu.VMEM_SHARED((N_PAD, D_OUT), jnp.float32),
            pltpu.SemaphoreType.DMA,
            pltpu.SemaphoreType.DMA,
            pltpu.SemaphoreType.DMA,
            pltpu.SemaphoreType.DMA,
            pltpu.SemaphoreType.DMA,
            pltpu.SemaphoreType.DMA,
            pltpu.SemaphoreType.DMA,
            pltpu.SemaphoreType.DMA,
        ],
    )
    def k(hs_hbm, e_hbm, out_hbm, sidx_v, didx_v, rows_v, zero_v, agg_sp,
          g0, g1, g2, g3, s0, s1, s2, s3):
        gsem = [g0, g1, g2, g3]
        ssem = [s0, s1, s2, s3]
        cid = lax.axis_index("c")
        sid = lax.axis_index("s")
        w = sid * 2 + cid

        pltpu.sync_copy(e_hbm.at[0, pl.ds(w * RW, RW)], sidx_v)
        pltpu.sync_copy(e_hbm.at[1, pl.ds(w * RW, RW)], didx_v)

        @pl.loop(0, WPS)
        def _(i):
            zero_v[i, :] = jnp.zeros((D_OUT,), jnp.float32)

        pltpu.sync_copy(zero_v, agg_sp.at[pl.ds(sid * WPS, WPS)])
        plsc.subcore_barrier()

        gd = [None] * NB
        sd = [None] * NB
        pending = set()
        for j in range(min(NB - 1, RW)):
            gd[j] = pltpu.async_copy(hs_hbm.at[sidx_v.at[j]], rows_v.at[j],
                                     gsem[j])
        for j in range(RW):
            b = j % NB
            gd[b].wait()
            sd[b] = pltpu.async_copy(rows_v.at[b], agg_sp.at[didx_v.at[j]],
                                     ssem[b], add=True)
            pending.add(b)
            nj = j + NB - 1
            if nj < RW:
                nb = nj % NB
                if sd[nb] is not None:
                    sd[nb].wait()
                    pending.discard(nb)
                gd[nb] = pltpu.async_copy(hs_hbm.at[sidx_v.at[nj]],
                                          rows_v.at[nb], gsem[nb])
        for b in sorted(pending):
            sd[b].wait()

        plsc.subcore_barrier()
        pltpu.sync_copy(agg_sp.at[pl.ds(sid * WPS, WPS)],
                        out_hbm.at[cid, pl.ds(sid * WPS, WPS)])

    return k(hs, e3)


def _tc_final(aggpv, hs2, deg8, b2):

    def body(agg_ref, hs_ref, d_ref, b_ref, out_ref):
        a = agg_ref[0, :NR, :] + agg_ref[1, :NR, :] + hs_ref[...]
        t = a * _dinv_packed(d_ref, NR) + b_ref[...]
        t = jnp.maximum(t, 0.0)
        e = jnp.exp(t)
        ii = lax.broadcasted_iota(jnp.int32, (128, 128), 0) // D_OUT
        jj = lax.broadcasted_iota(jnp.int32, (128, 128), 1) // D_OUT
        blk = (ii == jj).astype(jnp.float32)
        gs = jnp.dot(e, blk, preferred_element_type=jnp.float32)
        out_ref[...] = t - jnp.log(gs)

    return pl.pallas_call(
        body,
        out_shape=jax.ShapeDtypeStruct((NR, 128), jnp.float32),
    )(aggpv, hs2, deg8, b2)


def kernel(x, edge_index, W, b):
    x3 = x.reshape(NR, PK * D_IN)
    W2 = jnp.kron(jnp.eye(PK, dtype=W.dtype), W)
    b2 = jnp.tile(b, (PK,)).reshape(1, 128)

    e3 = edge_index.reshape(2, NW * RW, EB)
    degp = _sc_degree(e3)
    deg8 = degp.reshape(2, NRP, PK)
    h2 = _tc_matmul(x3, W2)
    hs2 = _tc_scale(h2, deg8)
    hs_sc = hs2.reshape(N_NODES, D_OUT)
    aggp = _sc_aggregate(hs_sc, e3)
    aggpv = aggp.reshape(2, NRP, 128)
    out2 = _tc_final(aggpv, hs2, deg8, b2)
    return out2.reshape(N_NODES, D_OUT)

# --- scband reference (transcript-rebuilt; emitter-appended) ---
"""Pipeline reference for scband-gcnn-26628797236068 (READ-ONLY COPY).

The authoritative reference and input builder live on the scoring server;
editing this copy changes nothing except your own understanding.
"""

import jax, jax.numpy as jnp
import numpy as np

N = 10000
E = 320000
D_IN = 128
D_OUT = 16

def setup_inputs(seed: int = 0) -> dict:
    key = jax.random.key(seed)
    k1, k2, k3 = jax.random.split(key, 3)
    x = jax.random.normal(k1, (N, D_IN), dtype=jnp.float32)
    edge_index = jax.random.randint(k2, (2, E), 0, N, dtype=jnp.int32)
    # GCNConv learned parameters (in_channels=128, out_channels=16)
    W = jax.random.normal(k3, (D_IN, D_OUT), dtype=jnp.float32) * (1.0 / np.sqrt(D_IN))
    b = jnp.zeros((D_OUT,), dtype=jnp.float32)
    return {"x": x, "edge_index": edge_index, "W": W, "b": b}

def reference(x, edge_index, W, b):
    # GCNConv with add_self_loops=True and symmetric normalization (PyG default)
    src = edge_index[0]
    dst = edge_index[1]
    loop = jnp.arange(N, dtype=edge_index.dtype)
    src = jnp.concatenate([src, loop], axis=0)
    dst = jnp.concatenate([dst, loop], axis=0)
    h = x @ W
    deg = jnp.zeros((N,), dtype=x.dtype).at[dst].add(1.0)
    dinv = jnp.where(deg > 0, deg ** -0.5, 0.0)
    norm = dinv[src] * dinv[dst]
    msg = h[src] * norm[:, None]
    out = jnp.zeros((N, D_OUT), dtype=x.dtype).at[dst].add(msg)
    out = out + b
    # F.relu
    out = jax.nn.relu(out)
    # F.dropout(training=self.training): identity in eval mode
    # F.log_softmax(dim=1)
    return jax.nn.log_softmax(out, axis=1)

if __name__ == "__main__":
    import jax
    _d = setup_inputs()
    print(jax.jit(kernel)(*tuple(_d.values())))

</pallas_src>

<mosaic_0001>
#map = affine_map<(d0, d1) -> (0, 0, 0)>
#map1 = affine_map<(d0, d1) -> (0)>
module attributes {stable_mosaic.version = 14 : i64} {
  func.func @k(%arg0: i32, %arg1: i32, %arg2: memref<2x320x1000xi32, #tpu.memory_space<hbm>>, %arg3: memref<20480xf32, #tpu.memory_space<hbm>>, %arg4: memref<10x1000xi32, #tpu.memory_space<vmem>>, %arg5: memref<1000xf32, #tpu.memory_space<vmem>>, %arg6: memref<640xf32, #tpu.memory_space<vmem>>, %arg7: memref<10240xf32, #tpu.memory_space<vmem_shared>>) attributes {dimension_semantics = [#tpu.dimension_semantics<core_parallel>, #tpu.dimension_semantics<subcore_parallel>], iteration_bounds = array<i64: 2, 16>, scalar_prefetch = 0 : i64, scratch_operands = 4 : i64, tpu.core_type = #tpu.core_type<sc_vector_subcore>, window_params = [{transform_indices = #map}, {transform_indices = #map1}]} {
    %mul3A = arith.constant 2 : i32
    %mul3A_0 = arith.muli %arg1, %mul3A : i32
    %add3A = arith.addi %mul3A_0, %arg0 : i32
    %mul3A_1 = arith.constant 10 : i32
    %mul3A_2 = arith.muli %add3A, %mul3A_1 : i32
    %run_scoped3A = arith.constant 1 : i32
    "tpu.region"() ({
      %run_scoped3A_27 = tpu.sem_alloc : memref<!tpu.dma_semaphore, #tpu.memory_space<semaphore_mem>>
      %dma_start3A = arith.constant 0 : i32
      %dma_start3A_28 = tpu.memref_slice %arg2[%run_scoped3A, %mul3A_2, %dma_start3A] : memref<2x320x1000xi32, #tpu.memory_space<hbm>> -> memref<1x10x1000xi32, #tpu.memory_space<hbm>>
      %dma_start3A_29 = tpu.memref_squeeze %dma_start3A_28 : memref<1x10x1000xi32, #tpu.memory_space<hbm>> -> memref<10x1000xi32, #tpu.memory_space<hbm>>
      %dma_start3A_30 = arith.constant 0 : i32
      %dma_start3A_31 = tpu.memref_slice %arg2[%run_scoped3A, %mul3A_2, %dma_start3A_30] : memref<2x320x1000xi32, #tpu.memory_space<hbm>> -> memref<1x10x1000xi32, #tpu.memory_space<hbm>>
      %dma_start3A_32 = tpu.memref_squeeze %dma_start3A_31 : memref<1x10x1000xi32, #tpu.memory_space<hbm>> -> memref<10x1000xi32, #tpu.memory_space<hbm>>
      tpu.enqueue_dma source(%dma_start3A_32 : memref<10x1000xi32, #tpu.memory_space<hbm>>) target(%arg4 : memref<10x1000xi32, #tpu.memory_space<vmem>>) target_semaphore(%run_scoped3A_27 : memref<!tpu.dma_semaphore, #tpu.memory_space<semaphore_mem>>)
      %dma_wait3A = arith.constant 0 : i32
      %dma_wait3A_33 = tpu.memref_slice %arg2[%run_scoped3A, %mul3A_2, %dma_wait3A] : memref<2x320x1000xi32, #tpu.memory_space<hbm>> -> memref<1x10x1000xi32, #tpu.memory_space<hbm>>
      %dma_wait3A_34 = tpu.memref_squeeze %dma_wait3A_33 : memref<1x10x1000xi32, #tpu.memory_space<hbm>> -> memref<10x1000xi32, #tpu.memory_space<hbm>>
      %dma_wait3A_35 = arith.constant 0 : i32
      %dma_wait3A_36 = tpu.memref_slice %arg2[%run_scoped3A, %mul3A_2, %dma_wait3A_35] : memref<2x320x1000xi32, #tpu.memory_space<hbm>> -> memref<1x10x1000xi32, #tpu.memory_space<hbm>>
      %dma_wait3A_37 = tpu.memref_squeeze %dma_wait3A_36 : memref<1x10x1000xi32, #tpu.memory_space<hbm>> -> memref<10x1000xi32, #tpu.memory_space<hbm>>
      tpu.wait_dma2 semaphore(%run_scoped3A_27 : memref<!tpu.dma_semaphore, #tpu.memory_space<semaphore_mem>>) src(%dma_wait3A_37 : memref<10x1000xi32, #tpu.memory_space<hbm>>) dst(%arg4 : memref<10x1000xi32, #tpu.memory_space<vmem>>)
      tpu.yield
    }) : () -> ()
    %scan3A = arith.constant 0 : i32
    %scan3A_3 = arith.constant 63 : i32
    %scan3A_4 = arith.addi %scan3A, %scan3A_3 : i32
    %scan3A_5 = arith.constant 1 : i32
    scf.for %scan3A_27 = %scan3A to %scan3A_4 step %scan3A_5  : i32 {
      %mul3A_28 = arith.constant 16 : i32
      %mul3A_29 = arith.muli %scan3A_27, %mul3A_28 : i32
      %add3A_30 = arith.constant 0 : i32
      %add3A_31 = arith.addi %add3A_30, %mul3A_29 : i32
      %broadcast_in_dim3A = arith.constant 1.000000e+00 : f32
      %broadcast_in_dim3A_32 = vector.broadcast %broadcast_in_dim3A : f32 to vector<16xf32>
      %swap3A = arith.index_cast %add3A_31 : i32 to index
      %swap3A_33 = tpu.vector_load %arg5[%swap3A] {strides = array<i32>} : memref<1000xf32, #tpu.memory_space<vmem>>, vector<16xf32>,
      %swap3A_34 = vector.shape_cast %swap3A_33 : vector<16xf32> to vector<16xf32>
      %swap3A_35 = vector.shape_cast %broadcast_in_dim3A_32 : vector<16xf32> to vector<16xf32>
      tpu.vector_store %arg5[%swap3A], %swap3A_35 {strides = array<i32>} : memref<1000xf32, #tpu.memory_space<vmem>>, vector<16xf32>,
    }
    %scan3A_6 = arith.constant 63 : i32
    %scan3A_7 = arith.constant 0 : i32
    %scan3A_8 = arith.constant 40 : i32
    %scan3A_9 = arith.addi %scan3A_7, %scan3A_8 : i32
    %scan3A_10 = arith.constant 1 : i32
    scf.for %scan3A_27 = %scan3A_7 to %scan3A_9 step %scan3A_10  : i32 {
      %mul3A_28 = arith.constant 16 : i32
      %mul3A_29 = arith.muli %scan3A_27, %mul3A_28 : i32
      %add3A_30 = arith.constant 0 : i32
      %add3A_31 = arith.addi %add3A_30, %mul3A_29 : i32
      %broadcast_in_dim3A = arith.constant 0.000000e+00 : f32
      %broadcast_in_dim3A_32 = vector.broadcast %broadcast_in_dim3A : f32 to vector<16xf32>
      %swap3A = arith.index_cast %add3A_31 : i32 to index
      %swap3A_33 = tpu.vector_load %arg6[%swap3A] {strides = array<i32>} : memref<640xf32, #tpu.memory_space<vmem>>, vector<16xf32>,
      %swap3A_34 = vector.shape_cast %swap3A_33 : vector<16xf32> to vector<16xf32>
      %swap3A_35 = vector.shape_cast %broadcast_in_dim3A_32 : vector<16xf32> to vector<16xf32>
      tpu.vector_store %arg6[%swap3A], %swap3A_35 {strides = array<i32>} : memref<640xf32, #tpu.memory_space<vmem>>, vector<16xf32>,
    }
    %scan3A_11 = arith.constant 40 : i32
    %mul3A_12 = arith.constant 640 : i32
    %mul3A_13 = arith.muli %arg1, %mul3A_12 : i32
    "tpu.region"() ({
      %run_scoped3A_27 = tpu.sem_alloc : memref<!tpu.dma_semaphore, #tpu.memory_space<semaphore_mem>>
      %dma_start3A = tpu.memref_slice %arg7[%mul3A_13] : memref<10240xf32, #tpu.memory_space<vmem_shared>> -> memref<640xf32, #tpu.memory_space<vmem_shared>>
      %dma_start3A_28 = tpu.memref_slice %arg7[%mul3A_13] : memref<10240xf32, #tpu.memory_space<vmem_shared>> -> memref<640xf32, #tpu.memory_space<vmem_shared>>
      tpu.enqueue_dma source(%arg6 : memref<640xf32, #tpu.memory_space<vmem>>) target(%dma_start3A_28 : memref<640xf32, #tpu.memory_space<vmem_shared>>) target_semaphore(%run_scoped3A_27 : memref<!tpu.dma_semaphore, #tpu.memory_space<semaphore_mem>>)
      %dma_wait3A = tpu.memref_slice %arg7[%mul3A_13] : memref<10240xf32, #tpu.memory_space<vmem_shared>> -> memref<640xf32, #tpu.memory_space<vmem_shared>>
      %dma_wait3A_29 = tpu.memref_slice %arg7[%mul3A_13] : memref<10240xf32, #tpu.memory_space<vmem_shared>> -> memref<640xf32, #tpu.memory_space<vmem_shared>>
      tpu.wait_dma2 semaphore(%run_scoped3A_27 : memref<!tpu.dma_semaphore, #tpu.memory_space<semaphore_mem>>) src(%arg6 : memref<640xf32, #tpu.memory_space<vmem>>) dst(%dma_wait3A_29 : memref<640xf32, #tpu.memory_space<vmem_shared>>)
      tpu.yield
    }) : () -> ()
    %barrier3A = arith.constant 0 : index
    tpu.barrier barrier_id(%barrier3A)
    %scan3A_14 = arith.constant 0 : i32
    %scan3A_15 = arith.constant 10 : i32
    %scan3A_16 = arith.addi %scan3A_14, %scan3A_15 : i32
    %scan3A_17 = arith.constant 1 : i32
    scf.for %scan3A_27 = %scan3A_14 to %scan3A_16 step %scan3A_17  : i32 {
      %mul3A_28 = arith.constant 1 : i32
      %mul3A_29 = arith.muli %scan3A_27, %mul3A_28 : i32
      %add3A_30 = arith.constant 0 : i32
      %add3A_31 = arith.addi %add3A_30, %mul3A_29 : i32
      "tpu.region"() ({
        %run_scoped3A_32 = tpu.sem_alloc : memref<!tpu.dma_semaphore, #tpu.memory_space<semaphore_mem>>
        %dma_start3A = arith.constant 0 : i32
        %dma_start3A_33 = tpu.memref_slice %arg4[%add3A_31, %dma_start3A] : memref<10x1000xi32, #tpu.memory_space<vmem>> -> memref<1x1000xi32, #tpu.memory_space<vmem>>
        %dma_start3A_34 = tpu.memref_squeeze %dma_start3A_33 : memref<1x1000xi32, #tpu.memory_space<vmem>> -> memref<1000xi32, #tpu.memory_space<vmem>>
        %dma_start3A_35 = arith.constant 0 : i32
        %dma_start3A_36 = tpu.memref_slice %arg7[%dma_start3A_35] : memref<10240xf32, #tpu.memory_space<vmem_shared>> -> memref<10240xf32, #tpu.memory_space<vmem_shared>>
        tpu.enqueue_indirect_dma source(%arg5 : memref<1000xf32, #tpu.memory_space<vmem>>) target(%dma_start3A_36 : memref<10240xf32, #tpu.memory_space<vmem_shared>>) offsets(%dma_start3A_34 : memref<1000xi32, #tpu.memory_space<vmem>>) semaphore(%run_scoped3A_32 : memref<!tpu.dma_semaphore, #tpu.memory_space<semaphore_mem>>) {add = true}
        %dma_wait3A = arith.constant 0 : i32
        %dma_wait3A_37 = tpu.memref_slice %arg4[%add3A_31, %dma_wait3A] : memref<10x1000xi32, #tpu.memory_space<vmem>> -> memref<1x1000xi32, #tpu.memory_space<vmem>>
        %dma_wait3A_38 = tpu.memref_squeeze %dma_wait3A_37 : memref<1x1000xi32, #tpu.memory_space<vmem>> -> memref<1000xi32, #tpu.memory_space<vmem>>
        %dma_wait3A_39 = arith.constant 0 : i32
        %dma_wait3A_40 = tpu.memref_slice %arg7[%dma_wait3A_39] : memref<10240xf32, #tpu.memory_space<vmem_shared>> -> memref<10240xf32, #tpu.memory_space<vmem_shared>>
        tpu.wait_indirect_dma semaphore(%run_scoped3A_32 : memref<!tpu.dma_semaphore, #tpu.memory_space<semaphore_mem>>) src(%arg5 : memref<1000xf32, #tpu.memory_space<vmem>>) dst(%dma_wait3A_40 : memref<10240xf32, #tpu.memory_space<vmem_shared>>)
        tpu.yield
      }) : () -> ()
    }
    %scan3A_18 = arith.constant 10 : i32
    %barrier3A_19 = arith.constant 0 : index
    tpu.barrier barrier_id(%barrier3A_19)
    %mul3A_20 = arith.constant 640 : i32
    %mul3A_21 = arith.muli %arg1, %mul3A_20 : i32
    %mul3A_22 = arith.constant 10240 : i32
    %mul3A_23 = arith.muli %arg0, %mul3A_22 : i32
    %mul3A_24 = arith.constant 640 : i32
    %mul3A_25 = arith.muli %arg1, %mul3A_24 : i32
    %add3A_26 = arith.addi %mul3A_23, %mul3A_25 : i32
    "tpu.region"() ({
      %run_scoped3A_27 = tpu.sem_alloc : memref<!tpu.dma_semaphore, #tpu.memory_space<semaphore_mem>>
      %dma_start3A = tpu.memref_slice %arg3[%add3A_26] : memref<20480xf32, #tpu.memory_space<hbm>> -> memref<640xf32, #tpu.memory_space<hbm>>
      %dma_start3A_28 = tpu.memref_slice %arg7[%mul3A_21] : memref<10240xf32, #tpu.memory_space<vmem_shared>> -> memref<640xf32, #tpu.memory_space<vmem_shared>>
      tpu.enqueue_dma source(%dma_start3A_28 : memref<640xf32, #tpu.memory_space<vmem_shared>>) target(%dma_start3A : memref<640xf32, #tpu.memory_space<hbm>>) target_semaphore(%run_scoped3A_27 : memref<!tpu.dma_semaphore, #tpu.memory_space<semaphore_mem>>)
      %dma_wait3A = tpu.memref_slice %arg3[%add3A_26] : memref<20480xf32, #tpu.memory_space<hbm>> -> memref<640xf32, #tpu.memory_space<hbm>>
      %dma_wait3A_29 = tpu.memref_slice %arg7[%mul3A_21] : memref<10240xf32, #tpu.memory_space<vmem_shared>> -> memref<640xf32, #tpu.memory_space<vmem_shared>>
      tpu.wait_dma2 semaphore(%run_scoped3A_27 : memref<!tpu.dma_semaphore, #tpu.memory_space<semaphore_mem>>) src(%dma_wait3A_29 : memref<640xf32, #tpu.memory_space<vmem_shared>>) dst(%dma_wait3A : memref<640xf32, #tpu.memory_space<hbm>>)
      tpu.yield
    }) : () -> ()
    return
  }
}

#map = affine_map<(d0, d1) -> (0, 0)>
#map1 = affine_map<(d0, d1) -> (0, 0, 0)>
module attributes {stable_mosaic.version = 14 : i64} {
  func.func @k(%arg0: i32, %arg1: i32, %arg2: memref<10000x16xf32, #tpu.memory_space<hbm>>, %arg3: memref<2x320x1000xi32, #tpu.memory_space<hbm>>, %arg4: memref<2x10240x16xf32, #tpu.memory_space<hbm>>, %arg5: memref<10x1000xi32, #tpu.memory_space<vmem>>, %arg6: memref<10x1000xi32, #tpu.memory_space<vmem>>, %arg7: memref<4x1000x16xf32, #tpu.memory_space<vmem>>, %arg8: memref<640x16xf32, #tpu.memory_space<vmem>>, %arg9: memref<10240x16xf32, #tpu.memory_space<vmem_shared>>, %arg10: memref<!tpu.dma_semaphore, #tpu.memory_space<semaphore_mem>>, %arg11: memref<!tpu.dma_semaphore, #tpu.memory_space<semaphore_mem>>, %arg12: memref<!tpu.dma_semaphore, #tpu.memory_space<semaphore_mem>>, %arg13: memref<!tpu.dma_semaphore, #tpu.memory_space<semaphore_mem>>, %arg14: memref<!tpu.dma_semaphore, #tpu.memory_space<semaphore_mem>>, %arg15: memref<!tpu.dma_semaphore, #tpu.memory_space<semaphore_mem>>, %arg16: memref<!tpu.dma_semaphore, #tpu.memory_space<semaphore_mem>>, %arg17: memref<!tpu.dma_semaphore, #tpu.memory_space<semaphore_mem>>) attributes {dimension_semantics = [#tpu.dimension_semantics<core_parallel>, #tpu.dimension_semantics<subcore_parallel>], iteration_bounds = array<i64: 2, 16>, scalar_prefetch = 0 : i64, scratch_operands = 13 : i64, tpu.core_type = #tpu.core_type<sc_vector_subcore>, window_params = [{transform_indices = #map}, {transform_indices = #map1}, {transform_indices = #map1}]} {
    %mul3A = arith.constant 2 : i32
    %mul3A_0 = arith.muli %arg1, %mul3A : i32
    %add3A = arith.addi %mul3A_0, %arg0 : i32
    %mul3A_1 = arith.constant 10 : i32
    %mul3A_2 = arith.muli %add3A, %mul3A_1 : i32
    %run_scoped3A = arith.constant 0 : i32
    "tpu.region"() ({
      %run_scoped3A_495 = tpu.sem_alloc : memref<!tpu.dma_semaphore, #tpu.memory_space<semaphore_mem>>
      %dma_start3A_496 = arith.constant 0 : i32
      %dma_start3A_497 = tpu.memref_slice %arg3[%run_scoped3A, %mul3A_2, %dma_start3A_496] : memref<2x320x1000xi32, #tpu.memory_space<hbm>> -> memref<1x10x1000xi32, #tpu.memory_space<hbm>>
      %dma_start3A_498 = tpu.memref_squeeze %dma_start3A_497 : memref<1x10x1000xi32, #tpu.memory_space<hbm>> -> memref<10x1000xi32, #tpu.memory_space<hbm>>
      %dma_start3A_499 = arith.constant 0 : i32
      %dma_start3A_500 = tpu.memref_slice %arg3[%run_scoped3A, %mul3A_2, %dma_start3A_499] : memref<2x320x1000xi32, #tpu.memory_space<hbm>> -> memref<1x10x1000xi32, #tpu.memory_space<hbm>>
      %dma_start3A_501 = tpu.memref_squeeze %dma_start3A_500 : memref<1x10x1000xi32, #tpu.memory_space<hbm>> -> memref<10x1000xi32, #tpu.memory_space<hbm>>
      tpu.enqueue_dma source(%dma_start3A_501 : memref<10x1000xi32, #tpu.memory_space<hbm>>) target(%arg5 : memref<10x1000xi32, #tpu.memory_space<vmem>>) target_semaphore(%run_scoped3A_495 : memref<!tpu.dma_semaphore, #tpu.memory_space<semaphore_mem>>)
      %dma_wait3A_502 = arith.constant 0 : i32
      %dma_wait3A_503 = tpu.memref_slice %arg3[%run_scoped3A, %mul3A_2, %dma_wait3A_502] : memref<2x320x1000xi32, #tpu.memory_space<hbm>> -> memref<1x10x1000xi32, #tpu.memory_space<hbm>>
      %dma_wait3A_504 = tpu.memref_squeeze %dma_wait3A_503 : memref<1x10x1000xi32, #tpu.memory_space<hbm>> -> memref<10x1000xi32, #tpu.memory_space<hbm>>
      %dma_wait3A_505 = arith.constant 0 : i32
      %dma_wait3A_506 = tpu.memref_slice %arg3[%run_scoped3A, %mul3A_2, %dma_wait3A_505] : memref<2x320x1000xi32, #tpu.memory_space<hbm>> -> memref<1x10x1000xi32, #tpu.memory_space<hbm>>
      %dma_wait3A_507 = tpu.memref_squeeze %dma_wait3A_506 : memref<1x10x1000xi32, #tpu.memory_space<hbm>> -> memref<10x1000xi32, #tpu.memory_space<hbm>>
      tpu.wait_dma2 semaphore(%run_scoped3A_495 : memref<!tpu.dma_semaphore, #tpu.memory_space<semaphore_mem>>) src(%dma_wait3A_507 : memref<10x1000xi32, #tpu.memory_space<hbm>>) dst(%arg5 : memref<10x1000xi32, #tpu.memory_space<vmem>>)
      tpu.yield
    }) : () -> ()
    %mul3A_3 = arith.constant 10 : i32
    %mul3A_4 = arith.muli %add3A, %mul3A_3 : i32
    %run_scoped3A_5 = arith.constant 1 : i32
    "tpu.region"() ({
      %run_scoped3A_495 = tpu.sem_alloc : memref<!tpu.dma_semaphore, #tpu.memory_space<semaphore_mem>>
      %dma_start3A_496 = arith.constant 0 : i32
      %dma_start3A_497 = tpu.memref_slice %arg3[%run_scoped3A_5, %mul3A_4, %dma_start3A_496] : memref<2x320x1000xi32, #tpu.memory_space<hbm>> -> memref<1x10x1000xi32, #tpu.memory_space<hbm>>
      %dma_start3A_498 = tpu.memref_squeeze %dma_start3A_497 : memref<1x10x1000xi32, #tpu.memory_space<hbm>> -> memref<10x1000xi32, #tpu.memory_space<hbm>>
      %dma_start3A_499 = arith.constant 0 : i32
      %dma_start3A_500 = tpu.memref_slice %arg3[%run_scoped3A_5, %mul3A_4, %dma_start3A_499] : memref<2x320x1000xi32, #tpu.memory_space<hbm>> -> memref<1x10x1000xi32, #tpu.memory_space<hbm>>
      %dma_start3A_501 = tpu.memref_squeeze %dma_start3A_500 : memref<1x10x1000xi32, #tpu.memory_space<hbm>> -> memref<10x1000xi32, #tpu.memory_space<hbm>>
      tpu.enqueue_dma source(%dma_start3A_501 : memref<10x1000xi32, #tpu.memory_space<hbm>>) target(%arg6 : memref<10x1000xi32, #tpu.memory_space<vmem>>) target_semaphore(%run_scoped3A_495 : memref<!tpu.dma_semaphore, #tpu.memory_space<semaphore_mem>>)
      %dma_wait3A_502 = arith.constant 0 : i32
      %dma_wait3A_503 = tpu.memref_slice %arg3[%run_scoped3A_5, %mul3A_4, %dma_wait3A_502] : memref<2x320x1000xi32, #tpu.memory_space<hbm>> -> memref<1x10x1000xi32, #tpu.memory_space<hbm>>
      %dma_wait3A_504 = tpu.memref_squeeze %dma_wait3A_503 : memref<1x10x1000xi32, #tpu.memory_space<hbm>> -> memref<10x1000xi32, #tpu.memory_space<hbm>>
      %dma_wait3A_505 = arith.constant 0 : i32
      %dma_wait3A_506 = tpu.memref_slice %arg3[%run_scoped3A_5, %mul3A_4, %dma_wait3A_505] : memref<2x320x1000xi32, #tpu.memory_space<hbm>> -> memref<1x10x1000xi32, #tpu.memory_space<hbm>>
      %dma_wait3A_507 = tpu.memref_squeeze %dma_wait3A_506 : memref<1x10x1000xi32, #tpu.memory_space<hbm>> -> memref<10x1000xi32, #tpu.memory_space<hbm>>
      tpu.wait_dma2 semaphore(%run_scoped3A_495 : memref<!tpu.dma_semaphore, #tpu.memory_space<semaphore_mem>>) src(%dma_wait3A_507 : memref<10x1000xi32, #tpu.memory_space<hbm>>) dst(%arg6 : memref<10x1000xi32, #tpu.memory_space<vmem>>)
      tpu.yield
    }) : () -> ()
    %scan3A = arith.constant 0 : i32
    %scan3A_6 = arith.constant 640 : i32
    %scan3A_7 = arith.addi %scan3A, %scan3A_6 : i32
    %scan3A_8 = arith.constant 1 : i32
    scf.for %scan3A_495 = %scan3A to %scan3A_7 step %scan3A_8  : i32 {
      %mul3A_496 = arith.constant 1 : i32
      %mul3A_497 = arith.muli %scan3A_495, %mul3A_496 : i32
      %add3A_498 = arith.constant 0 : i32
      %add3A_499 = arith.addi %add3A_498, %mul3A_497 : i32
      %broadcast_in_dim3A = arith.constant 0.000000e+00 : f32
      %broadcast_in_dim3A_500 = vector.broadcast %broadcast_in_dim3A : f32 to vector<16xf32>
      %swap3A = arith.index_cast %add3A_499 : i32 to index
      %swap3A_501 = arith.constant 0 : index
      %swap3A_502 = tpu.vector_load %arg8[%swap3A, %swap3A_501] {strides = array<i32>} : memref<640x16xf32, #tpu.memory_space<vmem>>, vector<1x16xf32>,
      %swap3A_503 = vector.shape_cast %swap3A_502 : vector<1x16xf32> to vector<16xf32>
      %swap3A_504 = vector.shape_cast %broadcast_in_dim3A_500 : vector<16xf32> to vector<1x16xf32>
      tpu.vector_store %arg8[%swap3A, %swap3A_501], %swap3A_504 {strides = array<i32>} : memref<640x16xf32, #tpu.memory_space<vmem>>, vector<1x16xf32>,
    }
    %scan3A_9 = arith.constant 640 : i32
    %mul3A_10 = arith.constant 640 : i32
    %mul3A_11 = arith.muli %arg1, %mul3A_10 : i32
    "tpu.region"() ({
      %run_scoped3A_495 = tpu.sem_alloc : memref<!tpu.dma_semaphore, #tpu.memory_space<semaphore_mem>>
      %dma_start3A_496 = arith.constant 0 : i32
      %dma_start3A_497 = tpu.memref_slice %arg9[%mul3A_11, %dma_start3A_496] : memref<10240x16xf32, #tpu.memory_space<vmem_shared>> -> memref<640x16xf32, #tpu.memory_space<vmem_shared>>
      %dma_start3A_498 = arith.constant 0 : i32
      %dma_start3A_499 = tpu.memref_slice %arg9[%mul3A_11, %dma_start3A_498] : memref<10240x16xf32, #tpu.memory_space<vmem_shared>> -> memref<640x16xf32, #tpu.memory_space<vmem_shared>>
      tpu.enqueue_dma source(%arg8 : memref<640x16xf32, #tpu.memory_space<vmem>>) target(%dma_start3A_499 : memref<640x16xf32, #tpu.memory_space<vmem_shared>>) target_semaphore(%run_scoped3A_495 : memref<!tpu.dma_semaphore, #tpu.memory_space<semaphore_mem>>)
      %dma_wait3A_500 = arith.constant 0 : i32
      %dma_wait3A_501 = tpu.memref_slice %arg9[%mul3A_11, %dma_wait3A_500] : memref<10240x16xf32, #tpu.memory_space<vmem_shared>> -> memref<640x16xf32, #tpu.memory_space<vmem_shared>>
      %dma_wait3A_502 = arith.constant 0 : i32
      %dma_wait3A_503 = tpu.memref_slice %arg9[%mul3A_11, %dma_wait3A_502] : memref<10240x16xf32, #tpu.memory_space<vmem_shared>> -> memref<640x16xf32, #tpu.memory_space<vmem_shared>>
      tpu.wait_dma2 semaphore(%run_scoped3A_495 : memref<!tpu.dma_semaphore, #tpu.memory_space<semaphore_mem>>) src(%arg8 : memref<640x16xf32, #tpu.memory_space<vmem>>) dst(%dma_wait3A_503 : memref<640x16xf32, #tpu.memory_space<vmem_shared>>)
      tpu.yield
    }) : () -> ()
    %barrier3A = arith.constant 0 : index
    tpu.barrier barrier_id(%barrier3A)
    %dma_start3A = arith.constant 0 : i32
    %dma_start3A_12 = arith.constant 0 : i32
    %dma_start3A_13 = arith.constant 0 : i32
    %dma_start3A_14 = arith.constant 0 : i32
    %dma_start3A_15 = tpu.memref_slice %arg7[%dma_start3A_12, %dma_start3A_13, %dma_start3A_14] : memref<4x1000x16xf32, #tpu.memory_space<vmem>> -> memref<1x1000x16xf32, #tpu.memory_space<vmem>>
    %dma_start3A_16 = tpu.memref_squeeze %dma_start3A_15 : memref<1x1000x16xf32, #tpu.memory_space<vmem>> -> memref<1000x16xf32, #tpu.memory_space<vmem>>
    %dma_start3A_17 = arith.constant 0 : i32
    %dma_start3A_18 = tpu.memref_slice %arg5[%dma_start3A, %dma_start3A_17] : memref<10x1000xi32, #tpu.memory_space<vmem>> -> memref<1x1000xi32, #tpu.memory_space<vmem>>
    %dma_start3A_19 = tpu.memref_squeeze %dma_start3A_18 : memref<1x1000xi32, #tpu.memory_space<vmem>> -> memref<1000xi32, #tpu.memory_space<vmem>>
    %dma_start3A_20 = arith.constant 0 : i32
    %dma_start3A_21 = arith.constant 0 : i32
    %dma_start3A_22 = tpu.memref_slice %arg2[%dma_start3A_20, %dma_start3A_21] : memref<10000x16xf32, #tpu.memory_space<hbm>> -> memref<10000x16xf32, #tpu.memory_space<hbm>>
    tpu.enqueue_indirect_dma source(%dma_start3A_22 : memref<10000x16xf32, #tpu.memory_space<hbm>>) target(%dma_start3A_16 : memref<1000x16xf32, #tpu.memory_space<vmem>>) offsets(%dma_start3A_19 : memref<1000xi32, #tpu.memory_space<vmem>>) semaphore(%arg10 : memref<!tpu.dma_semaphore, #tpu.memory_space<semaphore_mem>>)
    %dma_start3A_23 = arith.constant 1 : i32
    %dma_start3A_24 = arith.constant 1 : i32
    %dma_start3A_25 = arith.constant 0 : i32
    %dma_start3A_26 = arith.constant 0 : i32
    %dma_start3A_27 = tpu.memref_slice %arg7[%dma_start3A_24, %dma_start3A_25, %dma_start3A_26] : memref<4x1000x16xf32, #tpu.memory_space<vmem>> -> memref<1x1000x16xf32, #tpu.memory_space<vmem>>
    %dma_start3A_28 = tpu.memref_squeeze %dma_start3A_27 : memref<1x1000x16xf32, #tpu.memory_space<vmem>> -> memref<1000x16xf32, #tpu.memory_space<vmem>>
    %dma_start3A_29 = arith.constant 0 : i32
    %dma_start3A_30 = tpu.memref_slice %arg5[%dma_start3A_23, %dma_start3A_29] : memref<10x1000xi32, #tpu.memory_space<vmem>> -> memref<1x1000xi32, #tpu.memory_space<vmem>>
    %dma_start3A_31 = tpu.memref_squeeze %dma_start3A_30 : memref<1x1000xi32, #tpu.memory_space<vmem>> -> memref<1000xi32, #tpu.memory_space<vmem>>
    %dma_start3A_32 = arith.constant 0 : i32
    %dma_start3A_33 = arith.constant 0 : i32
    %dma_start3A_34 = tpu.memref_slice %arg2[%dma_start3A_32, %dma_start3A_33] : memref<10000x16xf32, #tpu.memory_space<hbm>> -> memref<10000x16xf32, #tpu.memory_space<hbm>>
    tpu.enqueue_indirect_dma source(%dma_start3A_34 : memref<10000x16xf32, #tpu.memory_space<hbm>>) target(%dma_start3A_28 : memref<1000x16xf32, #tpu.memory_space<vmem>>) offsets(%dma_start3A_31 : memref<1000xi32, #tpu.memory_space<vmem>>) semaphore(%arg11 : memref<!tpu.dma_semaphore, #tpu.memory_space<semaphore_mem>>)
    %dma_start3A_35 = arith.constant 2 : i32
    %dma_start3A_36 = arith.constant 2 : i32
    %dma_start3A_37 = arith.constant 0 : i32
    %dma_start3A_38 = arith.constant 0 : i32
    %dma_start3A_39 = tpu.memref_slice %arg7[%dma_start3A_36, %dma_start3A_37, %dma_start3A_38] : memref<4x1000x16xf32, #tpu.memory_space<vmem>> -> memref<1x1000x16xf32, #tpu.memory_space<vmem>>
    %dma_start3A_40 = tpu.memref_squeeze %dma_start3A_39 : memref<1x1000x16xf32, #tpu.memory_space<vmem>> -> memref<1000x16xf32, #tpu.memory_space<vmem>>
    %dma_start3A_41 = arith.constant 0 : i32
    %dma_start3A_42 = tpu.memref_slice %arg5[%dma_start3A_35, %dma_start3A_41] : memref<10x1000xi32, #tpu.memory_space<vmem>> -> memref<1x1000xi32, #tpu.memory_space<vmem>>
    %dma_start3A_43 = tpu.memref_squeeze %dma_start3A_42 : memref<1x1000xi32, #tpu.memory_space<vmem>> -> memref<1000xi32, #tpu.memory_space<vmem>>
    %dma_start3A_44 = arith.constant 0 : i32
    %dma_start3A_45 = arith.constant 0 : i32
    %dma_start3A_46 = tpu.memref_slice %arg2[%dma_start3A_44, %dma_start3A_45] : memref<10000x16xf32, #tpu.memory_space<hbm>> -> memref<10000x16xf32, #tpu.memory_space<hbm>>
    tpu.enqueue_indirect_dma source(%dma_start3A_46 : memref<10000x16xf32, #tpu.memory_space<hbm>>) target(%dma_start3A_40 : memref<1000x16xf32, #tpu.memory_space<vmem>>) offsets(%dma_start3A_43 : memref<1000xi32, #tpu.memory_space<vmem>>) semaphore(%arg12 : memref<!tpu.dma_semaphore, #tpu.memory_space<semaphore_mem>>)
    %dma_wait3A = arith.constant 0 : i32
    %dma_wait3A_47 = arith.constant 0 : i32
    %dma_wait3A_48 = arith.constant 0 : i32
    %dma_wait3A_49 = arith.constant 0 : i32
    %dma_wait3A_50 = tpu.memref_slice %arg7[%dma_wait3A_47, %dma_wait3A_48, %dma_wait3A_49] : memref<4x1000x16xf32, #tpu.memory_space<vmem>> -> memref<1x1000x16xf32, #tpu.memory_space<vmem>>
    %dma_wait3A_51 = tpu.memref_squeeze %dma_wait3A_50 : memref<1x1000x16xf32, #tpu.memory_space<vmem>> -> memref<1000x16xf32, #tpu.memory_space<vmem>>
    %dma_wait3A_52 = arith.constant 0 : i32
    %dma_wait3A_53 = tpu.memref_slice %arg5[%dma_wait3A, %dma_wait3A_52] : memref<10x1000xi32, #tpu.memory_space<vmem>> -> memref<1x1000xi32, #tpu.memory_space<vmem>>
    %dma_wait3A_54 = tpu.memref_squeeze %dma_wait3A_53 : memref<1x1000xi32, #tpu.memory_space<vmem>> -> memref<1000xi32, #tpu.memory_space<vmem>>
    %dma_wait3A_55 = arith.constant 0 : i32
    %dma_wait3A_56 = arith.constant 0 : i32
    %dma_wait3A_57 = tpu.memref_slice %arg2[%dma_wait3A_55, %dma_wait3A_56] : memref<10000x16xf32, #tpu.memory_space<hbm>> -> memref<10000x16xf32, #tpu.memory_space<hbm>>
    tpu.wait_indirect_dma semaphore(%arg10 : memref<!tpu.dma_semaphore, #tpu.memory_space<semaphore_mem>>) src(%dma_wait3A_57 : memref<10000x16xf32, #tpu.memory_space<hbm>>) dst(%dma_wait3A_51 : memref<1000x16xf32, #tpu.memory_space<vmem>>)
    %dma_start3A_58 = arith.constant 0 : i32
    %dma_start3A_59 = arith.constant 0 : i32
    %dma_start3A_60 = arith.constant 0 : i32
    %dma_start3A_61 = arith.constant 0 : i32
    %dma_start3A_62 = tpu.memref_slice %arg7[%dma_start3A_58, %dma_start3A_60, %dma_start3A_61] : memref<4x1000x16xf32, #tpu.memory_space<vmem>> -> memref<1x1000x16xf32, #tpu.memory_space<vmem>>
    %dma_start3A_63 = tpu.memref_squeeze %dma_start3A_62 : memref<1x1000x16xf32, #tpu.memory_space<vmem>> -> memref<1000x16xf32, #tpu.memory_space<vmem>>
    %dma_start3A_64 = arith.constant 0 : i32
    %dma_start3A_65 = tpu.memref_slice %arg6[%dma_start3A_59, %dma_start3A_64] : memref<10x1000xi32, #tpu.memory_space<vmem>> -> memref<1x1000xi32, #tpu.memory_space<vmem>>
    %dma_start3A_66 = tpu.memref_squeeze %dma_start3A_65 : memref<1x1000xi32, #tpu.memory_space<vmem>> -> memref<1000xi32, #tpu.memory_space<vmem>>
    %dma_start3A_67 = arith.constant 0 : i32
    %dma_start3A_68 = arith.constant 0 : i32
    %dma_start3A_69 = tpu.memref_slice %arg9[%dma_start3A_67, %dma_start3A_68] : memref<10240x16xf32, #tpu.memory_space<vmem_shared>> -> memref<10240x16xf32, #tpu.memory_space<vmem_shared>>
    tpu.enqueue_indirect_dma source(%dma_start3A_63 : memref<1000x16xf32, #tpu.memory_space<vmem>>) target(%dma_start3A_69 : memref<10240x16xf32, #tpu.memory_space<vmem_shared>>) offsets(%dma_start3A_66 : memref<1000xi32, #tpu.memory_space<vmem>>) semaphore(%arg14 : memref<!tpu.dma_semaphore, #tpu.memory_space<semaphore_mem>>) {add = true}
    %dma_start3A_70 = arith.constant 3 : i32
    %dma_start3A_71 = arith.constant 3 : i32
    %dma_start3A_72 = arith.constant 0 : i32
    %dma_start3A_73 = arith.constant 0 : i32
    %dma_start3A_74 = tpu.memref_slice %arg7[%dma_start3A_71, %dma_start3A_72, %dma_start3A_73] : memref<4x1000x16xf32, #tpu.memory_space<vmem>> -> memref<1x1000x16xf32, #tpu.memory_space<vmem>>
    %dma_start3A_75 = tpu.memref_squeeze %dma_start3A_74 : memref<1x1000x16xf32, #tpu.memory_space<vmem>> -> memref<1000x16xf32, #tpu.memory_space<vmem>>
    %dma_start3A_76 = arith.constant 0 : i32
    %dma_start3A_77 = tpu.memref_slice %arg5[%dma_start3A_70, %dma_start3A_76] : memref<10x1000xi32, #tpu.memory_space<vmem>> -> memref<1x1000xi32, #tpu.memory_space<vmem>>
    %dma_start3A_78 = tpu.memref_squeeze %dma_start3A_77 : memref<1x1000xi32, #tpu.memory_space<vmem>> -> memref<1000xi32, #tpu.memory_space<vmem>>
    %dma_start3A_79 = arith.constant 0 : i32
    %dma_start3A_80 = arith.constant 0 : i32
    %dma_start3A_81 = tpu.memref_slice %arg2[%dma_start3A_79, %dma_start3A_80] : memref<10000x16xf32, #tpu.memory_space<hbm>> -> memref<10000x16xf32, #tpu.memory_space<hbm>>
    tpu.enqueue_indirect_dma source(%dma_start3A_81 : memref<10000x16xf32, #tpu.memory_space<hbm>>) target(%dma_start3A_75 : memref<1000x16xf32, #tpu.memory_space<vmem>>) offsets(%dma_start3A_78 : memref<1000xi32, #tpu.memory_space<vmem>>) semaphore(%arg13 : memref<!tpu.dma_semaphore, #tpu.memory_space<semaphore_mem>>)
    %dma_wait3A_82 = arith.constant 1 : i32
    %dma_wait3A_83 = arith.constant 1 : i32
    %dma_wait3A_84 = arith.constant 0 : i32
    %dma_wait3A_85 = arith.constant 0 : i32
    %dma_wait3A_86 = tpu.memref_slice %arg7[%dma_wait3A_83, %dma_wait3A_84, %dma_wait3A_85] : memref<4x1000x16xf32, #tpu.memory_space<vmem>> -> memref<1x1000x16xf32, #tpu.memory_space<vmem>>
    %dma_wait3A_87 = tpu.memref_squeeze %dma_wait3A_86 : memref<1x1000x16xf32, #tpu.memory_space<vmem>> -> memref<1000x16xf32, #tpu.memory_space<vmem>>
    %dma_wait3A_88 = arith.constant 0 : i32
    %dma_wait3A_89 = tpu.memref_slice %arg5[%dma_wait3A_82, %dma_wait3A_88] : memref<10x1000xi32, #tpu.memory_space<vmem>> -> memref<1x1000xi32, #tpu.memory_space<vmem>>
    %dma_wait3A_90 = tpu.memref_squeeze %dma_wait3A_89 : memref<1x1000xi32, #tpu.memory_space<vmem>> -> memref<1000xi32, #tpu.memory_space<vmem>>
    %dma_wait3A_91 = arith.constant 0 : i32
    %dma_wait3A_92 = arith.constant 0 : i32
    %dma_wait3A_93 = tpu.memref_slice %arg2[%dma_wait3A_91, %dma_wait3A_92] : memref<10000x16xf32, #tpu.memory_space<hbm>> -> memref<10000x16xf32, #tpu.memory_space<hbm>>
    tpu.wait_indirect_dma semaphore(%arg11 : memref<!tpu.dma_semaphore, #tpu.memory_space<semaphore_mem>>) src(%dma_wait3A_93 : memref<10000x16xf32, #tpu.memory_space<hbm>>) dst(%dma_wait3A_87 : memref<1000x16xf32, #tpu.memory_space<vmem>>)
    %dma_start3A_94 = arith.constant 1 : i32
    %dma_start3A_95 = arith.constant 1 : i32
    %dma_start3A_96 = arith.constant 0 : i32
    %dma_start3A_97 = arith.constant 0 : i32
    %dma_start3A_98 = tpu.memref_slice %arg7[%dma_start3A_94, %dma_start3A_96, %dma_start3A_97] : memref<4x1000x16xf32, #tpu.memory_space<vmem>> -> memref<1x1000x16xf32, #tpu.memory_space<vmem>>
    %dma_start3A_99 = tpu.memref_squeeze %dma_start3A_98 : memref<1x1000x16xf32, #tpu.memory_space<vmem>> -> memref<1000x16xf32, #tpu.memory_space<vmem>>
    %dma_start3A_100 = arith.constant 0 : i32
    %dma_start3A_101 = tpu.memref_slice %arg6[%dma_start3A_95, %dma_start3A_100] : memref<10x1000xi32, #tpu.memory_space<vmem>> -> memref<1x1000xi32, #tpu.memory_space<vmem>>
    %dma_start3A_102 = tpu.memref_squeeze %dma_start3A_101 : memref<1x1000xi32, #tpu.memory_space<vmem>> -> memref<1000xi32, #tpu.memory_space<vmem>>
    %dma_start3A_103 = arith.constant 0 : i32
    %dma_start3A_104 = arith.constant 0 : i32
    %dma_start3A_105 = tpu.memref_slice %arg9[%dma_start3A_103, %dma_start3A_104] : memref<10240x16xf32, #tpu.memory_space<vmem_shared>> -> memref<10240x16xf32, #tpu.memory_space<vmem_shared>>
    tpu.enqueue_indirect_dma source(%dma_start3A_99 : memref<1000x16xf32, #tpu.memory_space<vmem>>) target(%dma_start3A_105 : memref<10240x16xf32, #tpu.memory_space<vmem_shared>>) offsets(%dma_start3A_102 : memref<1000xi32, #tpu.memory_space<vmem>>) semaphore(%arg15 : memref<!tpu.dma_semaphore, #tpu.memory_space<semaphore_mem>>) {add = true}
    %dma_wait3A_106 = arith.constant 0 : i32
    %dma_wait3A_107 = arith.constant 0 : i32
    %dma_wait3A_108 = arith.constant 0 : i32
    %dma_wait3A_109 = arith.constant 0 : i32
    %dma_wait3A_110 = tpu.memref_slice %arg7[%dma_wait3A_106, %dma_wait3A_108, %dma_wait3A_109] : memref<4x1000x16xf32, #tpu.memory_space<vmem>> -> memref<1x1000x16xf32, #tpu.memory_space<vmem>>
    %dma_wait3A_111 = tpu.memref_squeeze %dma_wait3A_110 : memref<1x1000x16xf32, #tpu.memory_space<vmem>> -> memref<1000x16xf32, #tpu.memory_space<vmem>>
    %dma_wait3A_112 = arith.constant 0 : i32
    %dma_wait3A_113 = tpu.memref_slice %arg6[%dma_wait3A_107, %dma_wait3A_112] : memref<10x1000xi32, #tpu.memory_space<vmem>> -> memref<1x1000xi32, #tpu.memory_space<vmem>>
    %dma_wait3A_114 = tpu.memref_squeeze %dma_wait3A_113 : memref<1x1000xi32, #tpu.memory_space<vmem>> -> memref<1000xi32, #tpu.memory_space<vmem>>
    %dma_wait3A_115 = arith.constant 0 : i32
    %dma_wait3A_116 = arith.constant 0 : i32
    %dma_wait3A_117 = tpu.memref_slice %arg9[%dma_wait3A_115, %dma_wait3A_116] : memref<10240x16xf32, #tpu.memory_space<vmem_shared>> -> memref<10240x16xf32, #tpu.memory_space<vmem_shared>>
    tpu.wait_indirect_dma semaphore(%arg14 : memref<!tpu.dma_semaphore, #tpu.memory_space<semaphore_mem>>) src(%dma_wait3A_111 : memref<1000x16xf32, #tpu.memory_space<vmem>>) dst(%dma_wait3A_117 : memref<10240x16xf32, #tpu.memory_space<vmem_shared>>)
    %dma_start3A_118 = arith.constant 4 : i32
    %dma_start3A_119 = arith.constant 0 : i32
    %dma_start3A_120 = arith.constant 0 : i32
    %dma_start3A_121 = arith.constant 0 : i32
    %dma_start3A_122 = tpu.memref_slice %arg7[%dma_start3A_119, %dma_start3A_120, %dma_start3A_121] : memref<4x1000x16xf32, #tpu.memory_space<vmem>> -> memref<1x1000x16xf32, #tpu.memory_space<vmem>>
    %dma_start3A_123 = tpu.memref_squeeze %dma_start3A_122 : memref<1x1000x16xf32, #tpu.memory_space<vmem>> -> memref<1000x16xf32, #tpu.memory_space<vmem>>
    %dma_start3A_124 = arith.constant 0 : i32
    %dma_start3A_125 = tpu.memref_slice %arg5[%dma_start3A_118, %dma_start3A_124] : memref<10x1000xi32, #tpu.memory_space<vmem>> -> memref<1x1000xi32, #tpu.memory_space<vmem>>
    %dma_start3A_126 = tpu.memref_squeeze %dma_start3A_125 : memref<1x1000xi32, #tpu.memory_space<vmem>> -> memref<1000xi32, #tpu.memory_space<vmem>>
    %dma_start3A_127 = arith.constant 0 : i32
    %dma_start3A_128 = arith.constant 0 : i32
    %dma_start3A_129 = tpu.memref_slice %arg2[%dma_start3A_127, %dma_start3A_128] : memref<10000x16xf32, #tpu.memory_space<hbm>> -> memref<10000x16xf32, #tpu.memory_space<hbm>>
    tpu.enqueue_indirect_dma source(%dma_start3A_129 : memref<10000x16xf32, #tpu.memory_space<hbm>>) target(%dma_start3A_123 : memref<1000x16xf32, #tpu.memory_space<vmem>>) offsets(%dma_start3A_126 : memref<1000xi32, #tpu.memory_space<vmem>>) semaphore(%arg10 : memref<!tpu.dma_semaphore, #tpu.memory_space<semaphore_mem>>)
    %dma_wait3A_130 = arith.constant 2 : i32
    %dma_wait3A_131 = arith.constant 2 : i32
    %dma_wait3A_132 = arith.constant 0 : i32
    %dma_wait3A_133 = arith.constant 0 : i32
    %dma_wait3A_134 = tpu.memref_slice %arg7[%dma_wait3A_131, %dma_wait3A_132, %dma_wait3A_133] : memref<4x1000x16xf32, #tpu.memory_space<vmem>> -> memref<1x1000x16xf32, #tpu.memory_space<vmem>>
    %dma_wait3A_135 = tpu.memref_squeeze %dma_wait3A_134 : memref<1x1000x16xf32, #tpu.memory_space<vmem>> -> memref<1000x16xf32, #tpu.memory_space<vmem>>
    %dma_wait3A_136 = arith.constant 0 : i32
    %dma_wait3A_137 = tpu.memref_slice %arg5[%dma_wait3A_130, %dma_wait3A_136] : memref<10x1000xi32, #tpu.memory_space<vmem>> -> memref<1x1000xi32, #tpu.memory_space<vmem>>
    %dma_wait3A_138 = tpu.memref_squeeze %dma_wait3A_137 : memref<1x1000xi32, #tpu.memory_space<vmem>> -> memref<1000xi32, #tpu.memory_space<vmem>>
    %dma_wait3A_139 = arith.constant 0 : i32
    %dma_wait3A_140 = arith.constant 0 : i32
    %dma_wait3A_141 = tpu.memref_slice %arg2[%dma_wait3A_139, %dma_wait3A_140] : memref<10000x16xf32, #tpu.memory_space<hbm>> -> memref<10000x16xf32, #tpu.memory_space<hbm>>
    tpu.wait_indirect_dma semaphore(%arg12 : memref<!tpu.dma_semaphore, #tpu.memory_space<semaphore_mem>>) src(%dma_wait3A_141 : memref<10000x16xf32, #tpu.memory_space<hbm>>) dst(%dma_wait3A_135 : memref<1000x16xf32, #tpu.memory_space<vmem>>)
    %dma_start3A_142 = arith.constant 2 : i32
    %dma_start3A_143 = arith.constant 2 : i32
    %dma_start3A_144 = arith.constant 0 : i32
    %dma_start3A_145 = arith.constant 0 : i32
    %dma_start3A_146 = tpu.memref_slice %arg7[%dma_start3A_142, %dma_start3A_144, %dma_start3A_145] : memref<4x1000x16xf32, #tpu.memory_space<vmem>> -> memref<1x1000x16xf32, #tpu.memory_space<vmem>>
    %dma_start3A_147 = tpu.memref_squeeze %dma_start3A_146 : memref<1x1000x16xf32, #tpu.memory_space<vmem>> -> memref<1000x16xf32, #tpu.memory_space<vmem>>
    %dma_start3A_148 = arith.constant 0 : i32
    %dma_start3A_149 = tpu.memref_slice %arg6[%dma_start3A_143, %dma_start3A_148] : memref<10x1000xi32, #tpu.memory_space<vmem>> -> memref<1x1000xi32, #tpu.memory_space<vmem>>
    %dma_start3A_150 = tpu.memref_squeeze %dma_start3A_149 : memref<1x1000xi32, #tpu.memory_space<vmem>> -> memref<1000xi32, #tpu.memory_space<vmem>>
    %dma_start3A_151 = arith.constant 0 : i32
    %dma_start3A_152 = arith.constant 0 : i32
    %dma_start3A_153 = tpu.memref_slice %arg9[%dma_start3A_151, %dma_start3A_152] : memref<10240x16xf32, #tpu.memory_space<vmem_shared>> -> memref<10240x16xf32, #tpu.memory_space<vmem_shared>>
    tpu.enqueue_indirect_dma source(%dma_start3A_147 : memref<1000x16xf32, #tpu.memory_space<vmem>>) target(%dma_start3A_153 : memref<10240x16xf32, #tpu.memory_space<vmem_shared>>) offsets(%dma_start3A_150 : memref<1000xi32, #tpu.memory_space<vmem>>) semaphore(%arg16 : memref<!tpu.dma_semaphore, #tpu.memory_space<semaphore_mem>>) {add = true}
    %dma_wait3A_154 = arith.constant 1 : i32
    %dma_wait3A_155 = arith.constant 1 : i32
    %dma_wait3A_156 = arith.constant 0 : i32
    %dma_wait3A_157 = arith.constant 0 : i32
    %dma_wait3A_158 = tpu.memref_slice %arg7[%dma_wait3A_154, %dma_wait3A_156, %dma_wait3A_157] : memref<4x1000x16xf32, #tpu.memory_space<vmem>> -> memref<1x1000x16xf32, #tpu.memory_space<vmem>>
    %dma_wait3A_159 = tpu.memref_squeeze %dma_wait3A_158 : memref<1x1000x16xf32, #tpu.memory_space<vmem>> -> memref<1000x16xf32, #tpu.memory_space<vmem>>
    %dma_wait3A_160 = arith.constant 0 : i32
    %dma_wait3A_161 = tpu.memref_slice %arg6[%dma_wait3A_155, %dma_wait3A_160] : memref<10x1000xi32, #tpu.memory_space<vmem>> -> memref<1x1000xi32, #tpu.memory_space<vmem>>
    %dma_wait3A_162 = tpu.memref_squeeze %dma_wait3A_161 : memref<1x1000xi32, #tpu.memory_space<vmem>> -> memref<1000xi32, #tpu.memory_space<vmem>>
    %dma_wait3A_163 = arith.constant 0 : i32
    %dma_wait3A_164 = arith.constant 0 : i32
    %dma_wait3A_165 = tpu.memref_slice %arg9[%dma_wait3A_163, %dma_wait3A_164] : memref<10240x16xf32, #tpu.memory_space<vmem_shared>> -> memref<10240x16xf32, #tpu.memory_space<vmem_shared>>
    tpu.wait_indirect_dma semaphore(%arg15 : memref<!tpu.dma_semaphore, #tpu.memory_space<semaphore_mem>>) src(%dma_wait3A_159 : memref<1000x16xf32, #tpu.memory_space<vmem>>) dst(%dma_wait3A_165 : memref<10240x16xf32, #tpu.memory_space<vmem_shared>>)
    %dma_start3A_166 = arith.constant 5 : i32
    %dma_start3A_167 = arith.constant 1 : i32
    %dma_start3A_168 = arith.constant 0 : i32
    %dma_start3A_169 = arith.constant 0 : i32
    %dma_start3A_170 = tpu.memref_slice %arg7[%dma_start3A_167, %dma_start3A_168, %dma_start3A_169] : memref<4x1000x16xf32, #tpu.memory_space<vmem>> -> memref<1x1000x16xf32, #tpu.memory_space<vmem>>
    %dma_start3A_171 = tpu.memref_squeeze %dma_start3A_170 : memref<1x1000x16xf32, #tpu.memory_space<vmem>> -> memref<1000x16xf32, #tpu.memory_space<vmem>>
    %dma_start3A_172 = arith.constant 0 : i32
    %dma_start3A_173 = tpu.memref_slice %arg5[%dma_start3A_166, %dma_start3A_172] : memref<10x1000xi32, #tpu.memory_space<vmem>> -> memref<1x1000xi32, #tpu.memory_space<vmem>>
    %dma_start3A_174 = tpu.memref_squeeze %dma_start3A_173 : memref<1x1000xi32, #tpu.memory_space<vmem>> -> memref<1000xi32, #tpu.memory_space<vmem>>
    %dma_start3A_175 = arith.constant 0 : i32
    %dma_start3A_176 = arith.constant 0 : i32
    %dma_start3A_177 = tpu.memref_slice %arg2[%dma_start3A_175, %dma_start3A_176] : memref<10000x16xf32, #tpu.memory_space<hbm>> -> memref<10000x16xf32, #tpu.memory_space<hbm>>
    tpu.enqueue_indirect_dma source(%dma_start3A_177 : memref<10000x16xf32, #tpu.memory_space<hbm>>) target(%dma_start3A_171 : memref<1000x16xf32, #tpu.memory_space<vmem>>) offsets(%dma_start3A_174 : memref<1000xi32, #tpu.memory_space<vmem>>) semaphore(%arg11 : memref<!tpu.dma_semaphore, #tpu.memory_space<semaphore_mem>>)
    %dma_wait3A_178 = arith.constant 3 : i32
    %dma_wait3A_179 = arith.constant 3 : i32
    %dma_wait3A_180 = arith.constant 0 : i32
    %dma_wait3A_181 = arith.constant 0 : i32
    %dma_wait3A_182 = tpu.memref_slice %arg7[%dma_wait3A_179, %dma_wait3A_180, %dma_wait3A_181] : memref<4x1000x16xf32, #tpu.memory_space<vmem>> -> memref<1x1000x16xf32, #tpu.memory_space<vmem>>
    %dma_wait3A_183 = tpu.memref_squeeze %dma_wait3A_182 : memref<1x1000x16xf32, #tpu.memory_space<vmem>> -> memref<1000x16xf32, #tpu.memory_space<vmem>>
    %dma_wait3A_184 = arith.constant 0 : i32
    %dma_wait3A_185 = tpu.memref_slice %arg5[%dma_wait3A_178, %dma_wait3A_184] : memref<10x1000xi32, #tpu.memory_space<vmem>> -> memref<1x1000xi32, #tpu.memory_space<vmem>>
    %dma_wait3A_186 = tpu.memref_squeeze %dma_wait3A_185 : memref<1x1000xi32, #tpu.memory_space<vmem>> -> memref<1000xi32, #tpu.memory_space<vmem>>
    %dma_wait3A_187 = arith.constant 0 : i32
    %dma_wait3A_188 = arith.constant 0 : i32
    %dma_wait3A_189 = tpu.memref_slice %arg2[%dma_wait3A_187, %dma_wait3A_188] : memref<10000x16xf32, #tpu.memory_space<hbm>> -> memref<10000x16xf32, #tpu.memory_space<hbm>>
    tpu.wait_indirect_dma semaphore(%arg13 : memref<!tpu.dma_semaphore, #tpu.memory_space<semaphore_mem>>) src(%dma_wait3A_189 : memref<10000x16xf32, #tpu.memory_space<hbm>>) dst(%dma_wait3A_183 : memref<1000x16xf32, #tpu.memory_space<vmem>>)
    %dma_start3A_190 = arith.constant 3 : i32
    %dma_start3A_191 = arith.constant 3 : i32
    %dma_start3A_192 = arith.constant 0 : i32
    %dma_start3A_193 = arith.constant 0 : i32
    %dma_start3A_194 = tpu.memref_slice %arg7[%dma_start3A_190, %dma_start3A_192, %dma_start3A_193] : memref<4x1000x16xf32, #tpu.memory_space<vmem>> -> memref<1x1000x16xf32, #tpu.memory_space<vmem>>
    %dma_start3A_195 = tpu.memref_squeeze %dma_start3A_194 : memref<1x1000x16xf32, #tpu.memory_space<vmem>> -> memref<1000x16xf32, #tpu.memory_space<vmem>>
    %dma_start3A_196 = arith.constant 0 : i32
    %dma_start3A_197 = tpu.memref_slice %arg6[%dma_start3A_191, %dma_start3A_196] : memref<10x1000xi32, #tpu.memory_space<vmem>> -> memref<1x1000xi32, #tpu.memory_space<vmem>>
    %dma_start3A_198 = tpu.memref_squeeze %dma_start3A_197 : memref<1x1000xi32, #tpu.memory_space<vmem>> -> memref<1000xi32, #tpu.memory_space<vmem>>
    %dma_start3A_199 = arith.constant 0 : i32
    %dma_start3A_200 = arith.constant 0 : i32
    %dma_start3A_201 = tpu.memref_slice %arg9[%dma_start3A_199, %dma_start3A_200] : memref<10240x16xf32, #tpu.memory_space<vmem_shared>> -> memref<10240x16xf32, #tpu.memory_space<vmem_shared>>
    tpu.enqueue_indirect_dma source(%dma_start3A_195 : memref<1000x16xf32, #tpu.memory_space<vmem>>) target(%dma_start3A_201 : memref<10240x16xf32, #tpu.memory_space<vmem_shared>>) offsets(%dma_start3A_198 : memref<1000xi32, #tpu.memory_space<vmem>>) semaphore(%arg17 : memref<!tpu.dma_semaphore, #tpu.memory_space<semaphore_mem>>) {add = true}
    %dma_wait3A_202 = arith.constant 2 : i32
    %dma_wait3A_203 = arith.constant 2 : i32
    %dma_wait3A_204 = arith.constant 0 : i32
    %dma_wait3A_205 = arith.constant 0 : i32
    %dma_wait3A_206 = tpu.memref_slice %arg7[%dma_wait3A_202, %dma_wait3A_204, %dma_wait3A_205] : memref<4x1000x16xf32, #tpu.memory_space<vmem>> -> memref<1x1000x16xf32, #tpu.memory_space<vmem>>
    %dma_wait3A_207 = tpu.memref_squeeze %dma_wait3A_206 : memref<1x1000x16xf32, #tpu.memory_space<vmem>> -> memref<1000x16xf32, #tpu.memory_space<vmem>>
    %dma_wait3A_208 = arith.constant 0 : i32
    %dma_wait3A_209 = tpu.memref_slice %arg6[%dma_wait3A_203, %dma_wait3A_208] : memref<10x1000xi32, #tpu.memory_space<vmem>> -> memref<1x1000xi32, #tpu.memory_space<vmem>>
    %dma_wait3A_210 = tpu.memref_squeeze %dma_wait3A_209 : memref<1x1000xi32, #tpu.memory_space<vmem>> -> memref<1000xi32, #tpu.memory_space<vmem>>
    %dma_wait3A_211 = arith.constant 0 : i32
    %dma_wait3A_212 = arith.constant 0 : i32
    %dma_wait3A_213 = tpu.memref_slice %arg9[%dma_wait3A_211, %dma_wait3A_212] : memref<10240x16xf32, #tpu.memory_space<vmem_shared>> -> memref<10240x16xf32, #tpu.memory_space<vmem_shared>>
    tpu.wait_indirect_dma semaphore(%arg16 : memref<!tpu.dma_semaphore, #tpu.memory_space<semaphore_mem>>) src(%dma_wait3A_207 : memref<1000x16xf32, #tpu.memory_space<vmem>>) dst(%dma_wait3A_213 : memref<10240x16xf32, #tpu.memory_space<vmem_shared>>)
    %dma_start3A_214 = arith.constant 6 : i32
    %dma_start3A_215 = arith.constant 2 : i32
    %dma_start3A_216 = arith.constant 0 : i32
    %dma_start3A_217 = arith.constant 0 : i32
    %dma_start3A_218 = tpu.memref_slice %arg7[%dma_start3A_215, %dma_start3A_216, %dma_start3A_217] : memref<4x1000x16xf32, #tpu.memory_space<vmem>> -> memref<1x1000x16xf32, #tpu.memory_space<vmem>>
    %dma_start3A_219 = tpu.memref_squeeze %dma_start3A_218 : memref<1x1000x16xf32, #tpu.memory_space<vmem>> -> memref<1000x16xf32, #tpu.memory_space<vmem>>
    %dma_start3A_220 = arith.constant 0 : i32
    %dma_start3A_221 = tpu.memref_slice %arg5[%dma_start3A_214, %dma_start3A_220] : memref<10x1000xi32, #tpu.memory_space<vmem>> -> memref<1x1000xi32, #tpu.memory_space<vmem>>
    %dma_start3A_222 = tpu.memref_squeeze %dma_start3A_221 : memref<1x1000xi32, #tpu.memory_space<vmem>> -> memref<1000xi32, #tpu.memory_space<vmem>>
    %dma_start3A_223 = arith.constant 0 : i32
    %dma_start3A_224 = arith.constant 0 : i32
    %dma_start3A_225 = tpu.memref_slice %arg2[%dma_start3A_223, %dma_start3A_224] : memref<10000x16xf32, #tpu.memory_space<hbm>> -> memref<10000x16xf32, #tpu.memory_space<hbm>>
    tpu.enqueue_indirect_dma source(%dma_start3A_225 : memref<10000x16xf32, #tpu.memory_space<hbm>>) target(%dma_start3A_219 : memref<1000x16xf32, #tpu.memory_space<vmem>>) offsets(%dma_start3A_222 : memref<1000xi32, #tpu.memory_space<vmem>>) semaphore(%arg12 : memref<!tpu.dma_semaphore, #tpu.memory_space<semaphore_mem>>)
    %dma_wait3A_226 = arith.constant 4 : i32
    %dma_wait3A_227 = arith.constant 0 : i32
    %dma_wait3A_228 = arith.constant 0 : i32
    %dma_wait3A_229 = arith.constant 0 : i32
    %dma_wait3A_230 = tpu.memref_slice %arg7[%dma_wait3A_227, %dma_wait3A_228, %dma_wait3A_229] : memref<4x1000x16xf32, #tpu.memory_space<vmem>> -> memref<1x1000x16xf32, #tpu.memory_space<vmem>>
    %dma_wait3A_231 = tpu.memref_squeeze %dma_wait3A_230 : memref<1x1000x16xf32, #tpu.memory_space<vmem>> -> memref<1000x16xf32, #tpu.memory_space<vmem>>
    %dma_wait3A_232 = arith.constant 0 : i32
    %dma_wait3A_233 = tpu.memref_slice %arg5[%dma_wait3A_226, %dma_wait3A_232] : memref<10x1000xi32, #tpu.memory_space<vmem>> -> memref<1x1000xi32, #tpu.memory_space<vmem>>
    %dma_wait3A_234 = tpu.memref_squeeze %dma_wait3A_233 : memref<1x1000xi32, #tpu.memory_space<vmem>> -> memref<1000xi32, #tpu.memory_space<vmem>>
    %dma_wait3A_235 = arith.constant 0 : i32
    %dma_wait3A_236 = arith.constant 0 : i32
    %dma_wait3A_237 = tpu.memref_slice %arg2[%dma_wait3A_235, %dma_wait3A_236] : memref<10000x16xf32, #tpu.memory_space<hbm>> -> memref<10000x16xf32, #tpu.memory_space<hbm>>
    tpu.wait_indirect_dma semaphore(%arg10 : memref<!tpu.dma_semaphore, #tpu.memory_space<semaphore_mem>>) src(%dma_wait3A_237 : memref<10000x16xf32, #tpu.memory_space<hbm>>) dst(%dma_wait3A_231 : memref<1000x16xf32, #tpu.memory_space<vmem>>)
    %dma_start3A_238 = arith.constant 0 : i32
    %dma_start3A_239 = arith.constant 4 : i32
    %dma_start3A_240 = arith.constant 0 : i32
    %dma_start3A_241 = arith.constant 0 : i32
    %dma_start3A_242 = tpu.memref_slice %arg7[%dma_start3A_238, %dma_start3A_240, %dma_start3A_241] : memref<4x1000x16xf32, #tpu.memory_space<vmem>> -> memref<1x1000x16xf32, #tpu.memory_space<vmem>>
    %dma_start3A_243 = tpu.memref_squeeze %dma_start3A_242 : memref<1x1000x16xf32, #tpu.memory_space<vmem>> -> memref<1000x16xf32, #tpu.memory_space<vmem>>
    %dma_start3A_244 = arith.constant 0 : i32
    %dma_start3A_245 = tpu.memref_slice %arg6[%dma_start3A_239, %dma_start3A_244] : memref<10x1000xi32, #tpu.memory_space<vmem>> -> memref<1x1000xi32, #tpu.memory_space<vmem>>
    %dma_start3A_246 = tpu.memref_squeeze %dma_start3A_245 : memref<1x1000xi32, #tpu.memory_space<vmem>> -> memref<1000xi32, #tpu.memory_space<vmem>>
    %dma_start3A_247 = arith.constant 0 : i32
    %dma_start3A_248 = arith.constant 0 : i32
    %dma_start3A_249 = tpu.memref_slice %arg9[%dma_start3A_247, %dma_start3A_248] : memref<10240x16xf32, #tpu.memory_space<vmem_shared>> -> memref<10240x16xf32, #tpu.memory_space<vmem_shared>>
    tpu.enqueue_indirect_dma source(%dma_start3A_243 : memref<1000x16xf32, #tpu.memory_space<vmem>>) target(%dma_start3A_249 : memref<10240x16xf32, #tpu.memory_space<vmem_shared>>) offsets(%dma_start3A_246 : memref<1000xi32, #tpu.memory_space<vmem>>) semaphore(%arg14 : memref<!tpu.dma_semaphore, #tpu.memory_space<semaphore_mem>>) {add = true}
    %dma_wait3A_250 = arith.constant 3 : i32
    %dma_wait3A_251 = arith.constant 3 : i32
    %dma_wait3A_252 = arith.constant 0 : i32
    %dma_wait3A_253 = arith.constant 0 : i32
    %dma_wait3A_254 = tpu.memref_slice %arg7[%dma_wait3A_250, %dma_wait3A_252, %dma_wait3A_253] : memref<4x1000x16xf32, #tpu.memory_space<vmem>> -> memref<1x1000x16xf32, #tpu.memory_space<vmem>>
    %dma_wait3A_255 = tpu.memref_squeeze %dma_wait3A_254 : memref<1x1000x16xf32, #tpu.memory_space<vmem>> -> memref<1000x16xf32, #tpu.memory_space<vmem>>
    %dma_wait3A_256 = arith.constant 0 : i32
    %dma_wait3A_257 = tpu.memref_slice %arg6[%dma_wait3A_251, %dma_wait3A_256] : memref<10x1000xi32, #tpu.memory_space<vmem>> -> memref<1x1000xi32, #tpu.memory_space<vmem>>
    %dma_wait3A_258 = tpu.memref_squeeze %dma_wait3A_257 : memref<1x1000xi32, #tpu.memory_space<vmem>> -> memref<1000xi32, #tpu.memory_space<vmem>>
    %dma_wait3A_259 = arith.constant 0 : i32
    %dma_wait3A_260 = arith.constant 0 : i32
    %dma_wait3A_261 = tpu.memref_slice %arg9[%dma_wait3A_259, %dma_wait3A_260] : memref<10240x16xf32, #tpu.memory_space<vmem_shared>> -> memref<10240x16xf32, #tpu.memory_space<vmem_shared>>
    tpu.wait_indirect_dma semaphore(%arg17 : memref<!tpu.dma_semaphore, #tpu.memory_space<semaphore_mem>>) src(%dma_wait3A_255 : memref<1000x16xf32, #tpu.memory_space<vmem>>) dst(%dma_wait3A_261 : memref<10240x16xf32, #tpu.memory_space<vmem_shared>>)
    %dma_start3A_262 = arith.constant 7 : i32
    %dma_start3A_263 = arith.constant 3 : i32
    %dma_start3A_264 = arith.constant 0 : i32
    %dma_start3A_265 = arith.constant 0 : i32
    %dma_start3A_266 = tpu.memref_slice %arg7[%dma_start3A_263, %dma_start3A_264, %dma_start3A_265] : memref<4x1000x16xf32, #tpu.memory_space<vmem>> -> memref<1x1000x16xf32, #tpu.memory_space<vmem>>
    %dma_start3A_267 = tpu.memref_squeeze %dma_start3A_266 : memref<1x1000x16xf32, #tpu.memory_space<vmem>> -> memref<1000x16xf32, #tpu.memory_space<vmem>>
    %dma_start3A_268 = arith.constant 0 : i32
    %dma_start3A_269 = tpu.memref_slice %arg5[%dma_start3A_262, %dma_start3A_268] : memref<10x1000xi32, #tpu.memory_space<vmem>> -> memref<1x1000xi32, #tpu.memory_space<vmem>>
    %dma_start3A_270 = tpu.memref_squeeze %dma_start3A_269 : memref<1x1000xi32, #tpu.memory_space<vmem>> -> memref<1000xi32, #tpu.memory_space<vmem>>
    %dma_start3A_271 = arith.constant 0 : i32
    %dma_start3A_272 = arith.constant 0 : i32
    %dma_start3A_273 = tpu.memref_slice %arg2[%dma_start3A_271, %dma_start3A_272] : memref<10000x16xf32, #tpu.memory_space<hbm>> -> memref<10000x16xf32, #tpu.memory_space<hbm>>
    tpu.enqueue_indirect_dma source(%dma_start3A_273 : memref<10000x16xf32, #tpu.memory_space<hbm>>) target(%dma_start3A_267 : memref<1000x16xf32, #tpu.memory_space<vmem>>) offsets(%dma_start3A_270 : memref<1000xi32, #tpu.memory_space<vmem>>) semaphore(%arg13 : memref<!tpu.dma_semaphore, #tpu.memory_space<semaphore_mem>>)
    %dma_wait3A_274 = arith.constant 5 : i32
    %dma_wait3A_275 = arith.constant 1 : i32
    %dma_wait3A_276 = arith.constant 0 : i32
    %dma_wait3A_277 = arith.constant 0 : i32
    %dma_wait3A_278 = tpu.memref_slice %arg7[%dma_wait3A_275, %dma_wait3A_276, %dma_wait3A_277] : memref<4x1000x16xf32, #tpu.memory_space<vmem>> -> memref<1x1000x16xf32, #tpu.memory_space<vmem>>
    %dma_wait3A_279 = tpu.memref_squeeze %dma_wait3A_278 : memref<1x1000x16xf32, #tpu.memory_space<vmem>> -> memref<1000x16xf32, #tpu.memory_space<vmem>>
    %dma_wait3A_280 = arith.constant 0 : i32
    %dma_wait3A_281 = tpu.memref_slice %arg5[%dma_wait3A_274, %dma_wait3A_280] : memref<10x1000xi32, #tpu.memory_space<vmem>> -> memref<1x1000xi32, #tpu.memory_space<vmem>>
    %dma_wait3A_282 = tpu.memref_squeeze %dma_wait3A_281 : memref<1x1000xi32, #tpu.memory_space<vmem>> -> memref<1000xi32, #tpu.memory_space<vmem>>
    %dma_wait3A_283 = arith.constant 0 : i32
    %dma_wait3A_284 = arith.constant 0 : i32
    %dma_wait3A_285 = tpu.memref_slice %arg2[%dma_wait3A_283, %dma_wait3A_284] : memref<10000x16xf32, #tpu.memory_space<hbm>> -> memref<10000x16xf32, #tpu.memory_space<hbm>>
    tpu.wait_indirect_dma semaphore(%arg11 : memref<!tpu.dma_semaphore, #tpu.memory_space<semaphore_mem>>) src(%dma_wait3A_285 : memref<10000x16xf32, #tpu.memory_space<hbm>>) dst(%dma_wait3A_279 : memref<1000x16xf32, #tpu.memory_space<vmem>>)
    %dma_start3A_286 = arith.constant 1 : i32
    %dma_start3A_287 = arith.constant 5 : i32
    %dma_start3A_288 = arith.constant 0 : i32
    %dma_start3A_289 = arith.constant 0 : i32
    %dma_start3A_290 = tpu.memref_slice %arg7[%dma_start3A_286, %dma_start3A_288, %dma_start3A_289] : memref<4x1000x16xf32, #tpu.memory_space<vmem>> -> memref<1x1000x16xf32, #tpu.memory_space<vmem>>
    %dma_start3A_291 = tpu.memref_squeeze %dma_start3A_290 : memref<1x1000x16xf32, #tpu.memory_space<vmem>> -> memref<1000x16xf32, #tpu.memory_space<vmem>>
    %dma_start3A_292 = arith.constant 0 : i32
    %dma_start3A_293 = tpu.memref_slice %arg6[%dma_start3A_287, %dma_start3A_292] : memref<10x1000xi32, #tpu.memory_space<vmem>> -> memref<1x1000xi32, #tpu.memory_space<vmem>>
    %dma_start3A_294 = tpu.memref_squeeze %dma_start3A_293 : memref<1x1000xi32, #tpu.memory_space<vmem>> -> memref<1000xi32, #tpu.memory_space<vmem>>
    %dma_start3A_295 = arith.constant 0 : i32
    %dma_start3A_296 = arith.constant 0 : i32
    %dma_start3A_297 = tpu.memref_slice %arg9[%dma_start3A_295, %dma_start3A_296] : memref<10240x16xf32, #tpu.memory_space<vmem_shared>> -> memref<10240x16xf32, #tpu.memory_space<vmem_shared>>
    tpu.enqueue_indirect_dma source(%dma_start3A_291 : memref<1000x16xf32, #tpu.memory_space<vmem>>) target(%dma_start3A_297 : memref<10240x16xf32, #tpu.memory_space<vmem_shared>>) offsets(%dma_start3A_294 : memref<1000xi32, #tpu.memory_space<vmem>>) semaphore(%arg15 : memref<!tpu.dma_semaphore, #tpu.memory_space<semaphore_mem>>) {add = true}
    %dma_wait3A_298 = arith.constant 0 : i32
    %dma_wait3A_299 = arith.constant 4 : i32
    %dma_wait3A_300 = arith.constant 0 : i32
    %dma_wait3A_301 = arith.constant 0 : i32
    %dma_wait3A_302 = tpu.memref_slice %arg7[%dma_wait3A_298, %dma_wait3A_300, %dma_wait3A_301] : memref<4x1000x16xf32, #tpu.memory_space<vmem>> -> memref<1x1000x16xf32, #tpu.memory_space<vmem>>
    %dma_wait3A_303 = tpu.memref_squeeze %dma_wait3A_302 : memref<1x1000x16xf32, #tpu.memory_space<vmem>> -> memref<1000x16xf32, #tpu.memory_space<vmem>>
    %dma_wait3A_304 = arith.constant 0 : i32
    %dma_wait3A_305 = tpu.memref_slice %arg6[%dma_wait3A_299, %dma_wait3A_304] : memref<10x1000xi32, #tpu.memory_space<vmem>> -> memref<1x1000xi32, #tpu.memory_space<vmem>>
    %dma_wait3A_306 = tpu.memref_squeeze %dma_wait3A_305 : memref<1x1000xi32, #tpu.memory_space<vmem>> -> memref<1000xi32, #tpu.memory_space<vmem>>
    %dma_wait3A_307 = arith.constant 0 : i32
    %dma_wait3A_308 = arith.constant 0 : i32
    %dma_wait3A_309 = tpu.memref_slice %arg9[%dma_wait3A_307, %dma_wait3A_308] : memref<10240x16xf32, #tpu.memory_space<vmem_shared>> -> memref<10240x16xf32, #tpu.memory_space<vmem_shared>>
    tpu.wait_indirect_dma semaphore(%arg14 : memref<!tpu.dma_semaphore, #tpu.memory_space<semaphore_mem>>) src(%dma_wait3A_303 : memref<1000x16xf32, #tpu.memory_space<vmem>>) dst(%dma_wait3A_309 : memref<10240x16xf32, #tpu.memory_space<vmem_shared>>)
    %dma_start3A_310 = arith.constant 8 : i32
    %dma_start3A_311 = arith.constant 0 : i32
    %dma_start3A_312 = arith.constant 0 : i32
    %dma_start3A_313 = arith.constant 0 : i32
    %dma_start3A_314 = tpu.memref_slice %arg7[%dma_start3A_311, %dma_start3A_312, %dma_start3A_313] : memref<4x1000x16xf32, #tpu.memory_space<vmem>> -> memref<1x1000x16xf32, #tpu.memory_space<vmem>>
    %dma_start3A_315 = tpu.memref_squeeze %dma_start3A_314 : memref<1x1000x16xf32, #tpu.memory_space<vmem>> -> memref<1000x16xf32, #tpu.memory_space<vmem>>
    %dma_start3A_316 = arith.constant 0 : i32
    %dma_start3A_317 = tpu.memref_slice %arg5[%dma_start3A_310, %dma_start3A_316] : memref<10x1000xi32, #tpu.memory_space<vmem>> -> memref<1x1000xi32, #tpu.memory_space<vmem>>
    %dma_start3A_318 = tpu.memref_squeeze %dma_start3A_317 : memref<1x1000xi32, #tpu.memory_space<vmem>> -> memref<1000xi32, #tpu.memory_space<vmem>>
    %dma_start3A_319 = arith.constant 0 : i32
    %dma_start3A_320 = arith.constant 0 : i32
    %dma_start3A_321 = tpu.memref_slice %arg2[%dma_start3A_319, %dma_start3A_320] : memref<10000x16xf32, #tpu.memory_space<hbm>> -> memref<10000x16xf32, #tpu.memory_space<hbm>>
    tpu.enqueue_indirect_dma source(%dma_start3A_321 : memref<10000x16xf32, #tpu.memory_space<hbm>>) target(%dma_start3A_315 : memref<1000x16xf32, #tpu.memory_space<vmem>>) offsets(%dma_start3A_318 : memref<1000xi32, #tpu.memory_space<vmem>>) semaphore(%arg10 : memref<!tpu.dma_semaphore, #tpu.memory_space<semaphore_mem>>)
    %dma_wait3A_322 = arith.constant 6 : i32
    %dma_wait3A_323 = arith.constant 2 : i32
    %dma_wait3A_324 = arith.constant 0 : i32
    %dma_wait3A_325 = arith.constant 0 : i32
    %dma_wait3A_326 = tpu.memref_slice %arg7[%dma_wait3A_323, %dma_wait3A_324, %dma_wait3A_325] : memref<4x1000x16xf32, #tpu.memory_space<vmem>> -> memref<1x1000x16xf32, #tpu.memory_space<vmem>>
    %dma_wait3A_327 = tpu.memref_squeeze %dma_wait3A_326 : memref<1x1000x16xf32, #tpu.memory_space<vmem>> -> memref<1000x16xf32, #tpu.memory_space<vmem>>
    %dma_wait3A_328 = arith.constant 0 : i32
    %dma_wait3A_329 = tpu.memref_slice %arg5[%dma_wait3A_322, %dma_wait3A_328] : memref<10x1000xi32, #tpu.memory_space<vmem>> -> memref<1x1000xi32, #tpu.memory_space<vmem>>
    %dma_wait3A_330 = tpu.memref_squeeze %dma_wait3A_329 : memref<1x1000xi32, #tpu.memory_space<vmem>> -> memref<1000xi32, #tpu.memory_space<vmem>>
    %dma_wait3A_331 = arith.constant 0 : i32
    %dma_wait3A_332 = arith.constant 0 : i32
    %dma_wait3A_333 = tpu.memref_slice %arg2[%dma_wait3A_331, %dma_wait3A_332] : memref<10000x16xf32, #tpu.memory_space<hbm>> -> memref<10000x16xf32, #tpu.memory_space<hbm>>
    tpu.wait_indirect_dma semaphore(%arg12 : memref<!tpu.dma_semaphore, #tpu.memory_space<semaphore_mem>>) src(%dma_wait3A_333 : memref<10000x16xf32, #tpu.memory_space<hbm>>) dst(%dma_wait3A_327 : memref<1000x16xf32, #tpu.memory_space<vmem>>)
    %dma_start3A_334 = arith.constant 2 : i32
    %dma_start3A_335 = arith.constant 6 : i32
    %dma_start3A_336 = arith.constant 0 : i32
    %dma_start3A_337 = arith.constant 0 : i32
    %dma_start3A_338 = tpu.memref_slice %arg7[%dma_start3A_334, %dma_start3A_336, %dma_start3A_337] : memref<4x1000x16xf32, #tpu.memory_space<vmem>> -> memref<1x1000x16xf32, #tpu.memory_space<vmem>>
    %dma_start3A_339 = tpu.memref_squeeze %dma_start3A_338 : memref<1x1000x16xf32, #tpu.memory_space<vmem>> -> memref<1000x16xf32, #tpu.memory_space<vmem>>
    %dma_start3A_340 = arith.constant 0 : i32
    %dma_start3A_341 = tpu.memref_slice %arg6[%dma_start3A_335, %dma_start3A_340] : memref<10x1000xi32, #tpu.memory_space<vmem>> -> memref<1x1000xi32, #tpu.memory_space<vmem>>
    %dma_start3A_342 = tpu.memref_squeeze %dma_start3A_341 : memref<1x1000xi32, #tpu.memory_space<vmem>> -> memref<1000xi32, #tpu.memory_space<vmem>>
    %dma_start3A_343 = arith.constant 0 : i32
    %dma_start3A_344 = arith.constant 0 : i32
    %dma_start3A_345 = tpu.memref_slice %arg9[%dma_start3A_343, %dma_start3A_344] : memref<10240x16xf32, #tpu.memory_space<vmem_shared>> -> memref<10240x16xf32, #tpu.memory_space<vmem_shared>>
    tpu.enqueue_indirect_dma source(%dma_start3A_339 : memref<1000x16xf32, #tpu.memory_space<vmem>>) target(%dma_start3A_345 : memref<10240x16xf32, #tpu.memory_space<vmem_shared>>) offsets(%dma_start3A_342 : memref<1000xi32, #tpu.memory_space<vmem>>) semaphore(%arg16 : memref<!tpu.dma_semaphore, #tpu.memory_space<semaphore_mem>>) {add = true}
    %dma_wait3A_346 = arith.constant 1 : i32
    %dma_wait3A_347 = arith.constant 5 : i32
    %dma_wait3A_348 = arith.constant 0 : i32
    %dma_wait3A_349 = arith.constant 0 : i32
    %dma_wait3A_350 = tpu.memref_slice %arg7[%dma_wait3A_346, %dma_wait3A_348, %dma_wait3A_349] : memref<4x1000x16xf32, #tpu.memory_space<vmem>> -> memref<1x1000x16xf32, #tpu.memory_space<vmem>>
    %dma_wait3A_351 = tpu.memref_squeeze %dma_wait3A_350 : memref<1x1000x16xf32, #tpu.memory_space<vmem>> -> memref<1000x16xf32, #tpu.memory_space<vmem>>
    %dma_wait3A_352 = arith.constant 0 : i32
    %dma_wait3A_353 = tpu.memref_slice %arg6[%dma_wait3A_347, %dma_wait3A_352] : memref<10x1000xi32, #tpu.memory_space<vmem>> -> memref<1x1000xi32, #tpu.memory_space<vmem>>
    %dma_wait3A_354 = tpu.memref_squeeze %dma_wait3A_353 : memref<1x1000xi32, #tpu.memory_space<vmem>> -> memref<1000xi32, #tpu.memory_space<vmem>>
    %dma_wait3A_355 = arith.constant 0 : i32
    %dma_wait3A_356 = arith.constant 0 : i32
    %dma_wait3A_357 = tpu.memref_slice %arg9[%dma_wait3A_355, %dma_wait3A_356] : memref<10240x16xf32, #tpu.memory_space<vmem_shared>> -> memref<10240x16xf32, #tpu.memory_space<vmem_shared>>
    tpu.wait_indirect_dma semaphore(%arg15 : memref<!tpu.dma_semaphore, #tpu.memory_space<semaphore_mem>>) src(%dma_wait3A_351 : memref<1000x16xf32, #tpu.memory_space<vmem>>) dst(%dma_wait3A_357 : memref<10240x16xf32, #tpu.memory_space<vmem_shared>>)
    %dma_start3A_358 = arith.constant 9 : i32
    %dma_start3A_359 = arith.constant 1 : i32
    %dma_start3A_360 = arith.constant 0 : i32
    %dma_start3A_361 = arith.constant 0 : i32
    %dma_start3A_362 = tpu.memref_slice %arg7[%dma_start3A_359, %dma_start3A_360, %dma_start3A_361] : memref<4x1000x16xf32, #tpu.memory_space<vmem>> -> memref<1x1000x16xf32, #tpu.memory_space<vmem>>
    %dma_start3A_363 = tpu.memref_squeeze %dma_start3A_362 : memref<1x1000x16xf32, #tpu.memory_space<vmem>> -> memref<1000x16xf32, #tpu.memory_space<vmem>>
    %dma_start3A_364 = arith.constant 0 : i32
    %dma_start3A_365 = tpu.memref_slice %arg5[%dma_start3A_358, %dma_start3A_364] : memref<10x1000xi32, #tpu.memory_space<vmem>> -> memref<1x1000xi32, #tpu.memory_space<vmem>>
    %dma_start3A_366 = tpu.memref_squeeze %dma_start3A_365 : memref<1x1000xi32, #tpu.memory_space<vmem>> -> memref<1000xi32, #tpu.memory_space<vmem>>
    %dma_start3A_367 = arith.constant 0 : i32
    %dma_start3A_368 = arith.constant 0 : i32
    %dma_start3A_369 = tpu.memref_slice %arg2[%dma_start3A_367, %dma_start3A_368] : memref<10000x16xf32, #tpu.memory_space<hbm>> -> memref<10000x16xf32, #tpu.memory_space<hbm>>
    tpu.enqueue_indirect_dma source(%dma_start3A_369 : memref<10000x16xf32, #tpu.memory_space<hbm>>) target(%dma_start3A_363 : memref<1000x16xf32, #tpu.memory_space<vmem>>) offsets(%dma_start3A_366 : memref<1000xi32, #tpu.memory_space<vmem>>) semaphore(%arg11 : memref<!tpu.dma_semaphore, #tpu.memory_space<semaphore_mem>>)
    %dma_wait3A_370 = arith.constant 7 : i32
    %dma_wait3A_371 = arith.constant 3 : i32
    %dma_wait3A_372 = arith.constant 0 : i32
    %dma_wait3A_373 = arith.constant 0 : i32
    %dma_wait3A_374 = tpu.memref_slice %arg7[%dma_wait3A_371, %dma_wait3A_372, %dma_wait3A_373] : memref<4x1000x16xf32, #tpu.memory_space<vmem>> -> memref<1x1000x16xf32, #tpu.memory_space<vmem>>
    %dma_wait3A_375 = tpu.memref_squeeze %dma_wait3A_374 : memref<1x1000x16xf32, #tpu.memory_space<vmem>> -> memref<1000x16xf32, #tpu.memory_space<vmem>>
    %dma_wait3A_376 = arith.constant 0 : i32
    %dma_wait3A_377 = tpu.memref_slice %arg5[%dma_wait3A_370, %dma_wait3A_376] : memref<10x1000xi32, #tpu.memory_space<vmem>> -> memref<1x1000xi32, #tpu.memory_space<vmem>>
    %dma_wait3A_378 = tpu.memref_squeeze %dma_wait3A_377 : memref<1x1000xi32, #tpu.memory_space<vmem>> -> memref<1000xi32, #tpu.memory_space<vmem>>
    %dma_wait3A_379 = arith.constant 0 : i32
    %dma_wait3A_380 = arith.constant 0 : i32
    %dma_wait3A_381 = tpu.memref_slice %arg2[%dma_wait3A_379, %dma_wait3A_380] : memref<10000x16xf32, #tpu.memory_space<hbm>> -> memref<10000x16xf32, #tpu.memory_space<hbm>>
    tpu.wait_indirect_dma semaphore(%arg13 : memref<!tpu.dma_semaphore, #tpu.memory_space<semaphore_mem>>) src(%dma_wait3A_381 : memref<10000x16xf32, #tpu.memory_space<hbm>>) dst(%dma_wait3A_375 : memref<1000x16xf32, #tpu.memory_space<vmem>>)
    %dma_start3A_382 = arith.constant 3 : i32
    %dma_start3A_383 = arith.constant 7 : i32
    %dma_start3A_384 = arith.constant 0 : i32
    %dma_start3A_385 = arith.constant 0 : i32
    %dma_start3A_386 = tpu.memref_slice %arg7[%dma_start3A_382, %dma_start3A_384, %dma_start3A_385] : memref<4x1000x16xf32, #tpu.memory_space<vmem>> -> memref<1x1000x16xf32, #tpu.memory_space<vmem>>
    %dma_start3A_387 = tpu.memref_squeeze %dma_start3A_386 : memref<1x1000x16xf32, #tpu.memory_space<vmem>> -> memref<1000x16xf32, #tpu.memory_space<vmem>>
    %dma_start3A_388 = arith.constant 0 : i32
    %dma_start3A_389 = tpu.memref_slice %arg6[%dma_start3A_383, %dma_start3A_388] : memref<10x1000xi32, #tpu.memory_space<vmem>> -> memref<1x1000xi32, #tpu.memory_space<vmem>>
    %dma_start3A_390 = tpu.memref_squeeze %dma_start3A_389 : memref<1x1000xi32, #tpu.memory_space<vmem>> -> memref<1000xi32, #tpu.memory_space<vmem>>
    %dma_start3A_391 = arith.constant 0 : i32
    %dma_start3A_392 = arith.constant 0 : i32
    %dma_start3A_393 = tpu.memref_slice %arg9[%dma_start3A_391, %dma_start3A_392] : memref<10240x16xf32, #tpu.memory_space<vmem_shared>> -> memref<10240x16xf32, #tpu.memory_space<vmem_shared>>
    tpu.enqueue_indirect_dma source(%dma_start3A_387 : memref<1000x16xf32, #tpu.memory_space<vmem>>) target(%dma_start3A_393 : memref<10240x16xf32, #tpu.memory_space<vmem_shared>>) offsets(%dma_start3A_390 : memref<1000xi32, #tpu.memory_space<vmem>>) semaphore(%arg17 : memref<!tpu.dma_semaphore, #tpu.memory_space<semaphore_mem>>) {add = true}
    %dma_wait3A_394 = arith.constant 8 : i32
    %dma_wait3A_395 = arith.constant 0 : i32
    %dma_wait3A_396 = arith.constant 0 : i32
    %dma_wait3A_397 = arith.constant 0 : i32
    %dma_wait3A_398 = tpu.memref_slice %arg7[%dma_wait3A_395, %dma_wait3A_396, %dma_wait3A_397] : memref<4x1000x16xf32, #tpu.memory_space<vmem>> -> memref<1x1000x16xf32, #tpu.memory_space<vmem>>
    %dma_wait3A_399 = tpu.memref_squeeze %dma_wait3A_398 : memref<1x1000x16xf32, #tpu.memory_space<vmem>> -> memref<1000x16xf32, #tpu.memory_space<vmem>>
    %dma_wait3A_400 = arith.constant 0 : i32
    %dma_wait3A_401 = tpu.memref_slice %arg5[%dma_wait3A_394, %dma_wait3A_400] : memref<10x1000xi32, #tpu.memory_space<vmem>> -> memref<1x1000xi32, #tpu.memory_space<vmem>>
    %dma_wait3A_402 = tpu.memref_squeeze %dma_wait3A_401 : memref<1x1000xi32, #tpu.memory_space<vmem>> -> memref<1000xi32, #tpu.memory_space<vmem>>
    %dma_wait3A_403 = arith.constant 0 : i32
    %dma_wait3A_404 = arith.constant 0 : i32
    %dma_wait3A_405 = tpu.memref_slice %arg2[%dma_wait3A_403, %dma_wait3A_404] : memref<10000x16xf32, #tpu.memory_space<hbm>> -> memref<10000x16xf32, #tpu.memory_space<hbm>>
    tpu.wait_indirect_dma semaphore(%arg10 : memref<!tpu.dma_semaphore, #tpu.memory_space<semaphore_mem>>) src(%dma_wait3A_405 : memref<10000x16xf32, #tpu.memory_space<hbm>>) dst(%dma_wait3A_399 : memref<1000x16xf32, #tpu.memory_space<vmem>>)
    %dma_start3A_406 = arith.constant 0 : i32
    %dma_start3A_407 = arith.constant 8 : i32
    %dma_start3A_408 = arith.constant 0 : i32
    %dma_start3A_409 = arith.constant 0 : i32
    %dma_start3A_410 = tpu.memref_slice %arg7[%dma_start3A_406, %dma_start3A_408, %dma_start3A_409] : memref<4x1000x16xf32, #tpu.memory_space<vmem>> -> memref<1x1000x16xf32, #tpu.memory_space<vmem>>
    %dma_start3A_411 = tpu.memref_squeeze %dma_start3A_410 : memref<1x1000x16xf32, #tpu.memory_space<vmem>> -> memref<1000x16xf32, #tpu.memory_space<vmem>>
    %dma_start3A_412 = arith.constant 0 : i32
    %dma_start3A_413 = tpu.memref_slice %arg6[%dma_start3A_407, %dma_start3A_412] : memref<10x1000xi32, #tpu.memory_space<vmem>> -> memref<1x1000xi32, #tpu.memory_space<vmem>>
    %dma_start3A_414 = tpu.memref_squeeze %dma_start3A_413 : memref<1x1000xi32, #tpu.memory_space<vmem>> -> memref<1000xi32, #tpu.memory_space<vmem>>
    %dma_start3A_415 = arith.constant 0 : i32
    %dma_start3A_416 = arith.constant 0 : i32
    %dma_start3A_417 = tpu.memref_slice %arg9[%dma_start3A_415, %dma_start3A_416] : memref<10240x16xf32, #tpu.memory_space<vmem_shared>> -> memref<10240x16xf32, #tpu.memory_space<vmem_shared>>
    tpu.enqueue_indirect_dma source(%dma_start3A_411 : memref<1000x16xf32, #tpu.memory_space<vmem>>) target(%dma_start3A_417 : memref<10240x16xf32, #tpu.memory_space<vmem_shared>>) offsets(%dma_start3A_414 : memref<1000xi32, #tpu.memory_space<vmem>>) semaphore(%arg14 : memref<!tpu.dma_semaphore, #tpu.memory_space<semaphore_mem>>) {add = true}
    %dma_wait3A_418 = arith.constant 9 : i32
    %dma_wait3A_419 = arith.constant 1 : i32
    %dma_wait3A_420 = arith.constant 0 : i32
    %dma_wait3A_421 = arith.constant 0 : i32
    %dma_wait3A_422 = tpu.memref_slice %arg7[%dma_wait3A_419, %dma_wait3A_420, %dma_wait3A_421] : memref<4x1000x16xf32, #tpu.memory_space<vmem>> -> memref<1x1000x16xf32, #tpu.memory_space<vmem>>
    %dma_wait3A_423 = tpu.memref_squeeze %dma_wait3A_422 : memref<1x1000x16xf32, #tpu.memory_space<vmem>> -> memref<1000x16xf32, #tpu.memory_space<vmem>>
    %dma_wait3A_424 = arith.constant 0 : i32
    %dma_wait3A_425 = tpu.memref_slice %arg5[%dma_wait3A_418, %dma_wait3A_424] : memref<10x1000xi32, #tpu.memory_space<vmem>> -> memref<1x1000xi32, #tpu.memory_space<vmem>>
    %dma_wait3A_426 = tpu.memref_squeeze %dma_wait3A_425 : memref<1x1000xi32, #tpu.memory_space<vmem>> -> memref<1000xi32, #tpu.memory_space<vmem>>
    %dma_wait3A_427 = arith.constant 0 : i32
    %dma_wait3A_428 = arith.constant 0 : i32
    %dma_wait3A_429 = tpu.memref_slice %arg2[%dma_wait3A_427, %dma_wait3A_428] : memref<10000x16xf32, #tpu.memory_space<hbm>> -> memref<10000x16xf32, #tpu.memory_space<hbm>>
    tpu.wait_indirect_dma semaphore(%arg11 : memref<!tpu.dma_semaphore, #tpu.memory_space<semaphore_mem>>) src(%dma_wait3A_429 : memref<10000x16xf32, #tpu.memory_space<hbm>>) dst(%dma_wait3A_423 : memref<1000x16xf32, #tpu.memory_space<vmem>>)
    %dma_start3A_430 = arith.constant 1 : i32
    %dma_start3A_431 = arith.constant 9 : i32
    %dma_start3A_432 = arith.constant 0 : i32
    %dma_start3A_433 = arith.constant 0 : i32
    %dma_start3A_434 = tpu.memref_slice %arg7[%dma_start3A_430, %dma_start3A_432, %dma_start3A_433] : memref<4x1000x16xf32, #tpu.memory_space<vmem>> -> memref<1x1000x16xf32, #tpu.memory_space<vmem>>
    %dma_start3A_435 = tpu.memref_squeeze %dma_start3A_434 : memref<1x1000x16xf32, #tpu.memory_space<vmem>> -> memref<1000x16xf32, #tpu.memory_space<vmem>>
    %dma_start3A_436 = arith.constant 0 : i32
    %dma_start3A_437 = tpu.memref_slice %arg6[%dma_start3A_431, %dma_start3A_436] : memref<10x1000xi32, #tpu.memory_space<vmem>> -> memref<1x1000xi32, #tpu.memory_space<vmem>>
    %dma_start3A_438 = tpu.memref_squeeze %dma_start3A_437 : memref<1x1000xi32, #tpu.memory_space<vmem>> -> memref<1000xi32, #tpu.memory_space<vmem>>
    %dma_start3A_439 = arith.constant 0 : i32
    %dma_start3A_440 = arith.constant 0 : i32
    %dma_start3A_441 = tpu.memref_slice %arg9[%dma_start3A_439, %dma_start3A_440] : memref<10240x16xf32, #tpu.memory_space<vmem_shared>> -> memref<10240x16xf32, #tpu.memory_space<vmem_shared>>
    tpu.enqueue_indirect_dma source(%dma_start3A_435 : memref<1000x16xf32, #tpu.memory_space<vmem>>) target(%dma_start3A_441 : memref<10240x16xf32, #tpu.memory_space<vmem_shared>>) offsets(%dma_start3A_438 : memref<1000xi32, #tpu.memory_space<vmem>>) semaphore(%arg15 : memref<!tpu.dma_semaphore, #tpu.memory_space<semaphore_mem>>) {add = true}
    %dma_wait3A_442 = arith.constant 0 : i32
    %dma_wait3A_443 = arith.constant 8 : i32
    %dma_wait3A_444 = arith.constant 0 : i32
    %dma_wait3A_445 = arith.constant 0 : i32
    %dma_wait3A_446 = tpu.memref_slice %arg7[%dma_wait3A_442, %dma_wait3A_444, %dma_wait3A_445] : memref<4x1000x16xf32, #tpu.memory_space<vmem>> -> memref<1x1000x16xf32, #tpu.memory_space<vmem>>
    %dma_wait3A_447 = tpu.memref_squeeze %dma_wait3A_446 : memref<1x1000x16xf32, #tpu.memory_space<vmem>> -> memref<1000x16xf32, #tpu.memory_space<vmem>>
    %dma_wait3A_448 = arith.constant 0 : i32
    %dma_wait3A_449 = tpu.memref_slice %arg6[%dma_wait3A_443, %dma_wait3A_448] : memref<10x1000xi32, #tpu.memory_space<vmem>> -> memref<1x1000xi32, #tpu.memory_space<vmem>>
    %dma_wait3A_450 = tpu.memref_squeeze %dma_wait3A_449 : memref<1x1000xi32, #tpu.memory_space<vmem>> -> memref<1000xi32, #tpu.memory_space<vmem>>
    %dma_wait3A_451 = arith.constant 0 : i32
    %dma_wait3A_452 = arith.constant 0 : i32
    %dma_wait3A_453 = tpu.memref_slice %arg9[%dma_wait3A_451, %dma_wait3A_452] : memref<10240x16xf32, #tpu.memory_space<vmem_shared>> -> memref<10240x16xf32, #tpu.memory_space<vmem_shared>>
    tpu.wait_indirect_dma semaphore(%arg14 : memref<!tpu.dma_semaphore, #tpu.memory_space<semaphore_mem>>) src(%dma_wait3A_447 : memref<1000x16xf32, #tpu.memory_space<vmem>>) dst(%dma_wait3A_453 : memref<10240x16xf32, #tpu.memory_space<vmem_shared>>)
    %dma_wait3A_454 = arith.constant 1 : i32
    %dma_wait3A_455 = arith.constant 9 : i32
    %dma_wait3A_456 = arith.constant 0 : i32
    %dma_wait3A_457 = arith.constant 0 : i32
    %dma_wait3A_458 = tpu.memref_slice %arg7[%dma_wait3A_454, %dma_wait3A_456, %dma_wait3A_457] : memref<4x1000x16xf32, #tpu.memory_space<vmem>> -> memref<1x1000x16xf32, #tpu.memory_space<vmem>>
    %dma_wait3A_459 = tpu.memref_squeeze %dma_wait3A_458 : memref<1x1000x16xf32, #tpu.memory_space<vmem>> -> memref<1000x16xf32, #tpu.memory_space<vmem>>
    %dma_wait3A_460 = arith.constant 0 : i32
    %dma_wait3A_461 = tpu.memref_slice %arg6[%dma_wait3A_455, %dma_wait3A_460] : memref<10x1000xi32, #tpu.memory_space<vmem>> -> memref<1x1000xi32, #tpu.memory_space<vmem>>
    %dma_wait3A_462 = tpu.memref_squeeze %dma_wait3A_461 : memref<1x1000xi32, #tpu.memory_space<vmem>> -> memref<1000xi32, #tpu.memory_space<vmem>>
    %dma_wait3A_463 = arith.constant 0 : i32
    %dma_wait3A_464 = arith.constant 0 : i32
    %dma_wait3A_465 = tpu.memref_slice %arg9[%dma_wait3A_463, %dma_wait3A_464] : memref<10240x16xf32, #tpu.memory_space<vmem_shared>> -> memref<10240x16xf32, #tpu.memory_space<vmem_shared>>
    tpu.wait_indirect_dma semaphore(%arg15 : memref<!tpu.dma_semaphore, #tpu.memory_space<semaphore_mem>>) src(%dma_wait3A_459 : memref<1000x16xf32, #tpu.memory_space<vmem>>) dst(%dma_wait3A_465 : memref<10240x16xf32, #tpu.memory_space<vmem_shared>>)
    %dma_wait3A_466 = arith.constant 2 : i32
    %dma_wait3A_467 = arith.constant 6 : i32
    %dma_wait3A_468 = arith.constant 0 : i32
    %dma_wait3A_469 = arith.constant 0 : i32
    %dma_wait3A_470 = tpu.memref_slice %arg7[%dma_wait3A_466, %dma_wait3A_468, %dma_wait3A_469] : memref<4x1000x16xf32, #tpu.memory_space<vmem>> -> memref<1x1000x16xf32, #tpu.memory_space<vmem>>
    %dma_wait3A_471 = tpu.memref_squeeze %dma_wait3A_470 : memref<1x1000x16xf32, #tpu.memory_space<vmem>> -> memref<1000x16xf32, #tpu.memory_space<vmem>>
    %dma_wait3A_472 = arith.constant 0 : i32
    %dma_wait3A_473 = tpu.memref_slice %arg6[%dma_wait3A_467, %dma_wait3A_472] : memref<10x1000xi32, #tpu.memory_space<vmem>> -> memref<1x1000xi32, #tpu.memory_space<vmem>>
    %dma_wait3A_474 = tpu.memref_squeeze %dma_wait3A_473 : memref<1x1000xi32, #tpu.memory_space<vmem>> -> memref<1000xi32, #tpu.memory_space<vmem>>
    %dma_wait3A_475 = arith.constant 0 : i32
    %dma_wait3A_476 = arith.constant 0 : i32
    %dma_wait3A_477 = tpu.memref_slice %arg9[%dma_wait3A_475, %dma_wait3A_476] : memref<10240x16xf32, #tpu.memory_space<vmem_shared>> -> memref<10240x16xf32, #tpu.memory_space<vmem_shared>>
    tpu.wait_indirect_dma semaphore(%arg16 : memref<!tpu.dma_semaphore, #tpu.memory_space<semaphore_mem>>) src(%dma_wait3A_471 : memref<1000x16xf32, #tpu.memory_space<vmem>>) dst(%dma_wait3A_477 : memref<10240x16xf32, #tpu.memory_space<vmem_shared>>)
    %dma_wait3A_478 = arith.constant 3 : i32
    %dma_wait3A_479 = arith.constant 7 : i32
    %dma_wait3A_480 = arith.constant 0 : i32
    %dma_wait3A_481 = arith.constant 0 : i32
    %dma_wait3A_482 = tpu.memref_slice %arg7[%dma_wait3A_478, %dma_wait3A_480, %dma_wait3A_481] : memref<4x1000x16xf32, #tpu.memory_space<vmem>> -> memref<1x1000x16xf32, #tpu.memory_space<vmem>>
    %dma_wait3A_483 = tpu.memref_squeeze %dma_wait3A_482 : memref<1x1000x16xf32, #tpu.memory_space<vmem>> -> memref<1000x16xf32, #tpu.memory_space<vmem>>
    %dma_wait3A_484 = arith.constant 0 : i32
    %dma_wait3A_485 = tpu.memref_slice %arg6[%dma_wait3A_479, %dma_wait3A_484] : memref<10x1000xi32, #tpu.memory_space<vmem>> -> memref<1x1000xi32, #tpu.memory_space<vmem>>
    %dma_wait3A_486 = tpu.memref_squeeze %dma_wait3A_485 : memref<1x1000xi32, #tpu.memory_space<vmem>> -> memref<1000xi32, #tpu.memory_space<vmem>>
    %dma_wait3A_487 = arith.constant 0 : i32
    %dma_wait3A_488 = arith.constant 0 : i32
    %dma_wait3A_489 = tpu.memref_slice %arg9[%dma_wait3A_487, %dma_wait3A_488] : memref<10240x16xf32, #tpu.memory_space<vmem_shared>> -> memref<10240x16xf32, #tpu.memory_space<vmem_shared>>
    tpu.wait_indirect_dma semaphore(%arg17 : memref<!tpu.dma_semaphore, #tpu.memory_space<semaphore_mem>>) src(%dma_wait3A_483 : memref<1000x16xf32, #tpu.memory_space<vmem>>) dst(%dma_wait3A_489 : memref<10240x16xf32, #tpu.memory_space<vmem_shared>>)
    %barrier3A_490 = arith.constant 0 : index
    tpu.barrier barrier_id(%barrier3A_490)
    %mul3A_491 = arith.constant 640 : i32
    %mul3A_492 = arith.muli %arg1, %mul3A_491 : i32
    %mul3A_493 = arith.constant 640 : i32
    %mul3A_494 = arith.muli %arg1, %mul3A_493 : i32
    "tpu.region"() ({
      %run_scoped3A_495 = tpu.sem_alloc : memref<!tpu.dma_semaphore, #tpu.memory_space<semaphore_mem>>
      %dma_start3A_496 = arith.constant 0 : i32
      %dma_start3A_497 = tpu.memref_slice %arg4[%arg0, %mul3A_494, %dma_start3A_496] : memref<2x10240x16xf32, #tpu.memory_space<hbm>> -> memref<1x640x16xf32, #tpu.memory_space<hbm>>
      %dma_start3A_498 = tpu.memref_squeeze %dma_start3A_497 : memref<1x640x16xf32, #tpu.memory_space<hbm>> -> memref<640x16xf32, #tpu.memory_space<hbm>>
      %dma_start3A_499 = arith.constant 0 : i32
      %dma_start3A_500 = tpu.memref_slice %arg9[%mul3A_492, %dma_start3A_499] : memref<10240x16xf32, #tpu.memory_space<vmem_shared>> -> memref<640x16xf32, #tpu.memory_space<vmem_shared>>
      tpu.enqueue_dma source(%dma_start3A_500 : memref<640x16xf32, #tpu.memory_space<vmem_shared>>) target(%dma_start3A_498 : memref<640x16xf32, #tpu.memory_space<hbm>>) target_semaphore(%run_scoped3A_495 : memref<!tpu.dma_semaphore, #tpu.memory_space<semaphore_mem>>)
      %dma_wait3A_501 = arith.constant 0 : i32
      %dma_wait3A_502 = tpu.memref_slice %arg4[%arg0, %mul3A_494, %dma_wait3A_501] : memref<2x10240x16xf32, #tpu.memory_space<hbm>> -> memref<1x640x16xf32, #tpu.memory_space<hbm>>
      %dma_wait3A_503 = tpu.memref_squeeze %dma_wait3A_502 : memref<1x640x16xf32, #tpu.memory_space<hbm>> -> memref<640x16xf32, #tpu.memory_space<hbm>>
      %dma_wait3A_504 = arith.constant 0 : i32
      %dma_wait3A_505 = tpu.memref_slice %arg9[%mul3A_492, %dma_wait3A_504] : memref<10240x16xf32, #tpu.memory_space<vmem_shared>> -> memref<640x16xf32, #tpu.memory_space<vmem_shared>>
      tpu.wait_dma2 semaphore(%run_scoped3A_495 : memref<!tpu.dma_semaphore, #tpu.memory_space<semaphore_mem>>) src(%dma_wait3A_505 : memref<640x16xf32, #tpu.memory_space<vmem_shared>>) dst(%dma_wait3A_503 : memref<640x16xf32, #tpu.memory_space<hbm>>)
      tpu.yield
    }) : () -> ()
    return
  }
}

module attributes {stable_mosaic.version = 14 : i64} {
  func.func @body(%arg0: memref<1250x1024xf32, #tpu.memory_space<vmem>>, %arg1: memref<1024x128xf32, #tpu.memory_space<vmem>>, %arg2: memref<1250x128xf32, #tpu.memory_space<vmem>>) attributes {dimension_semantics = [], scalar_prefetch = 0 : i64, scratch_operands = 0 : i64, tpu.core_type = #tpu.core_type<tc>} {
    %get3A = arith.constant 0 : index
    %get3A_0 = arith.constant 0 : index
    %get3A_1 = vector.load %arg0[%get3A, %get3A_0] : memref<1250x1024xf32, #tpu.memory_space<vmem>>, vector<1250x1024xf32>
    %get3A_2 = arith.constant 0 : index
    %get3A_3 = arith.constant 0 : index
    %get3A_4 = vector.load %arg1[%get3A_2, %get3A_3] : memref<1024x128xf32, #tpu.memory_space<vmem>>, vector<1024x128xf32>
    %dot_general3A = arith.constant dense<0.000000e+00> : vector<1250x128xf32>
    %dot_general3A_5 = tpu.matmul %get3A_1, %get3A_4, %dot_general3A {dimension_numbers = #tpu.dot_dimension_numbers<[1], [0], [0], [1], [0, 0, 1, 1], [], []>, transpose_lhs_hint = false} : vector<1250x1024xf32>, vector<1024x128xf32>, vector<1250x128xf32> -> vector<1250x128xf32>
    %swap3A = arith.constant 0 : index
    %swap3A_6 = arith.constant 0 : index
    %swap3A_7 = vector.load %arg2[%swap3A, %swap3A_6] : memref<1250x128xf32, #tpu.memory_space<vmem>>, vector<1250x128xf32>
    tpu.vector_store %arg2[%swap3A, %swap3A_6], %dot_general3A_5 {strides = array<i32>} : memref<1250x128xf32, #tpu.memory_space<vmem>>, vector<1250x128xf32>,
    return
  }
}

module attributes {stable_mosaic.version = 14 : i64} {
  func.func @body(%arg0: memref<1250x128xf32, #tpu.memory_space<vmem>>, %arg1: memref<2x1280x8xf32, #tpu.memory_space<vmem>>, %arg2: memref<1250x128xf32, #tpu.memory_space<vmem>>) attributes {dimension_semantics = [], scalar_prefetch = 0 : i64, scratch_operands = 0 : i64, tpu.core_type = #tpu.core_type<tc>} {
    %get3A = arith.constant 0 : index
    %get3A_0 = arith.constant 0 : index
    %get3A_1 = vector.load %arg0[%get3A, %get3A_0] : memref<1250x128xf32, #tpu.memory_space<vmem>>, vector<1250x128xf32>
    %get3A_2 = arith.constant 0 : index
    %get3A_3 = arith.constant 0 : index
    %get3A_4 = arith.constant 0 : index
    %get3A_5 = vector.load %arg1[%get3A_2, %get3A_3, %get3A_4] : memref<2x1280x8xf32, #tpu.memory_space<vmem>>, vector<1x1250x8xf32>
    %get3A_6 = vector.shape_cast %get3A_5 : vector<1x1250x8xf32> to vector<1250x8xf32>
    %get3A_7 = arith.constant 1 : index
    %get3A_8 = arith.constant 0 : index
    %get3A_9 = arith.constant 0 : index
    %get3A_10 = vector.load %arg1[%get3A_7, %get3A_8, %get3A_9] : memref<2x1280x8xf32, #tpu.memory_space<vmem>>, vector<1x1250x8xf32>
    %get3A_11 = vector.shape_cast %get3A_10 : vector<1x1250x8xf32> to vector<1250x8xf32>
    %add3A = arith.addf %get3A_6, %get3A_11 : vector<1250x8xf32>
    %add3A_12 = arith.constant 1.000000e+00 : f32
    %add3A_13 = vector.broadcast %add3A_12 : f32 to vector<1250x8xf32>
    %add3A_14 = arith.addf %add3A, %add3A_13 : vector<1250x8xf32>
    %rsqrt3A = math.rsqrt %add3A_14 : vector<1250x8xf32>
    %iota3A = tpu.iota {dimensions = array<i32: 0>} : vector<8x128xi32>
    %iota3A_15 = tpu.iota {dimensions = array<i32: 1>} : vector<8x128xi32>
    %jit3A = arith.constant 16 : i32
    %div3A = vector.broadcast %jit3A : i32 to vector<8x128xi32>
    %div3A_16 = arith.divsi %iota3A_15, %div3A : vector<8x128xi32>
    %sign3A = arith.constant 0 : i32
    %sign3A_17 = vector.broadcast %sign3A : i32 to vector<8x128xi32>
    %sign3A_18 = arith.cmpi sgt, %iota3A_15, %sign3A_17 : vector<8x128xi32>
    %sign3A_19 = arith.extui %sign3A_18 : vector<8x128xi1> to vector<8x128xi32>
    %sign3A_20 = arith.constant 0 : i32
    %sign3A_21 = vector.broadcast %sign3A_20 : i32 to vector<8x128xi32>
    %sign3A_22 = arith.cmpi slt, %iota3A_15, %sign3A_21 : vector<8x128xi32>
    %sign3A_23 = arith.extui %sign3A_22 : vector<8x128xi1> to vector<8x128xi32>
    %sign3A_24 = arith.subi %sign3A_19, %sign3A_23 : vector<8x128xi32>
    %sign3A_25 = arith.constant 0 : i32
    %sign3A_26 = arith.cmpi sgt, %jit3A, %sign3A_25 : i32
    %sign3A_27 = arith.extui %sign3A_26 : i1 to i32
    %sign3A_28 = arith.constant 0 : i32
    %sign3A_29 = arith.cmpi slt, %jit3A, %sign3A_28 : i32
    %sign3A_30 = arith.extui %sign3A_29 : i1 to i32
    %sign3A_31 = arith.subi %sign3A_27, %sign3A_30 : i32
    %ne3A = vector.broadcast %sign3A_31 : i32 to vector<8x128xi32>
    %ne3A_32 = arith.cmpi ne, %sign3A_24, %ne3A : vector<8x128xi32>
    %rem3A = vector.broadcast %jit3A : i32 to vector<8x128xi32>
    %rem3A_33 = arith.remsi %iota3A_15, %rem3A : vector<8x128xi32>
    %ne3A_34 = arith.constant 0 : i32
    %ne3A_35 = vector.broadcast %ne3A_34 : i32 to vector<8x128xi32>
    %ne3A_36 = arith.cmpi ne, %rem3A_33, %ne3A_35 : vector<8x128xi32>
    %and3A = arith.andi %ne3A_32, %ne3A_36 : vector<8x128xi1>
    %sub3A = arith.constant 1 : i32
    %sub3A_37 = vector.broadcast %sub3A : i32 to vector<8x128xi32>
    %sub3A_38 = arith.subi %div3A_16, %sub3A_37 : vector<8x128xi32>
    %select_n3A = arith.select %and3A, %sub3A_38, %div3A_16 : vector<8x128xi1>, vector<8x128xi32>
    %eq3A = arith.cmpi eq, %iota3A, %select_n3A : vector<8x128xi32>
    %convert_element_type3A = arith.extui %eq3A : vector<8x128xi1> to vector<8x128xi32>
    %convert_element_type3A_39 = arith.sitofp %convert_element_type3A : vector<8x128xi32> to vector<8x128xf32>
    %dot_general3A = arith.constant dense<0.000000e+00> : vector<1250x128xf32>
    %dot_general3A_40 = tpu.matmul %rsqrt3A, %convert_element_type3A_39, %dot_general3A {dimension_numbers = #tpu.dot_dimension_numbers<[1], [0], [0], [1], [0, 0, 1, 1], [], []>, transpose_lhs_hint = false} : vector<1250x8xf32>, vector<8x128xf32>, vector<1250x128xf32> -> vector<1250x128xf32>
    %mul3A = arith.mulf %get3A_1, %dot_general3A_40 : vector<1250x128xf32>
    %swap3A = arith.constant 0 : index
    %swap3A_41 = arith.constant 0 : index
    %swap3A_42 = vector.load %arg2[%swap3A, %swap3A_41] : memref<1250x128xf32, #tpu.memory_space<vmem>>, vector<1250x128xf32>
    tpu.vector_store %arg2[%swap3A, %swap3A_41], %mul3A {strides = array<i32>} : memref<1250x128xf32, #tpu.memory_space<vmem>>, vector<1250x128xf32>,
    return
  }
}

module attributes {stable_mosaic.version = 14 : i64} {
  func.func @body(%arg0: memref<2x1280x128xf32, #tpu.memory_space<vmem>>, %arg1: memref<1250x128xf32, #tpu.memory_space<vmem>>, %arg2: memref<2x1280x8xf32, #tpu.memory_space<vmem>>, %arg3: memref<1x128xf32, #tpu.memory_space<vmem>>, %arg4: memref<1250x128xf32, #tpu.memory_space<vmem>>) attributes {dimension_semantics = [], scalar_prefetch = 0 : i64, scratch_operands = 0 : i64, tpu.core_type = #tpu.core_type<tc>} {
    %get3A = arith.constant 0 : index
    %get3A_0 = arith.constant 0 : index
    %get3A_1 = arith.constant 0 : index
    %get3A_2 = vector.load %arg0[%get3A, %get3A_0, %get3A_1] : memref<2x1280x128xf32, #tpu.memory_space<vmem>>, vector<1x1250x128xf32>
    %get3A_3 = vector.shape_cast %get3A_2 : vector<1x1250x128xf32> to vector<1250x128xf32>
    %get3A_4 = arith.constant 1 : index
    %get3A_5 = arith.constant 0 : index
    %get3A_6 = arith.constant 0 : index
    %get3A_7 = vector.load %arg0[%get3A_4, %get3A_5, %get3A_6] : memref<2x1280x128xf32, #tpu.memory_space<vmem>>, vector<1x1250x128xf32>
    %get3A_8 = vector.shape_cast %get3A_7 : vector<1x1250x128xf32> to vector<1250x128xf32>
    %add3A = arith.addf %get3A_3, %get3A_8 : vector<1250x128xf32>
    %get3A_9 = arith.constant 0 : index
    %get3A_10 = arith.constant 0 : index
    %get3A_11 = vector.load %arg1[%get3A_9, %get3A_10] : memref<1250x128xf32, #tpu.memory_space<vmem>>, vector<1250x128xf32>
    %add3A_12 = arith.addf %add3A, %get3A_11 : vector<1250x128xf32>
    %get3A_13 = arith.constant 0 : index
    %get3A_14 = arith.constant 0 : index
    %get3A_15 = arith.constant 0 : index
    %get3A_16 = vector.load %arg2[%get3A_13, %get3A_14, %get3A_15] : memref<2x1280x8xf32, #tpu.memory_space<vmem>>, vector<1x1250x8xf32>
    %get3A_17 = vector.shape_cast %get3A_16 : vector<1x1250x8xf32> to vector<1250x8xf32>
    %get3A_18 = arith.constant 1 : index
    %get3A_19 = arith.constant 0 : index
    %get3A_20 = arith.constant 0 : index
    %get3A_21 = vector.load %arg2[%get3A_18, %get3A_19, %get3A_20] : memref<2x1280x8xf32, #tpu.memory_space<vmem>>, vector<1x1250x8xf32>
    %get3A_22 = vector.shape_cast %get3A_21 : vector<1x1250x8xf32> to vector<1250x8xf32>
    %add3A_23 = arith.addf %get3A_17, %get3A_22 : vector<1250x8xf32>
    %add3A_24 = arith.constant 1.000000e+00 : f32
    %add3A_25 = vector.broadcast %add3A_24 : f32 to vector<1250x8xf32>
    %add3A_26 = arith.addf %add3A_23, %add3A_25 : vector<1250x8xf32>
    %rsqrt3A = math.rsqrt %add3A_26 : vector<1250x8xf32>
    %iota3A = tpu.iota {dimensions = array<i32: 0>} : vector<8x128xi32>
    %iota3A_27 = tpu.iota {dimensions = array<i32: 1>} : vector<8x128xi32>
    %jit3A = arith.constant 16 : i32
    %div3A = vector.broadcast %jit3A : i32 to vector<8x128xi32>
    %div3A_28 = arith.divsi %iota3A_27, %div3A : vector<8x128xi32>
    %sign3A = arith.constant 0 : i32
    %sign3A_29 = vector.broadcast %sign3A : i32 to vector<8x128xi32>
    %sign3A_30 = arith.cmpi sgt, %iota3A_27, %sign3A_29 : vector<8x128xi32>
    %sign3A_31 = arith.extui %sign3A_30 : vector<8x128xi1> to vector<8x128xi32>
    %sign3A_32 = arith.constant 0 : i32
    %sign3A_33 = vector.broadcast %sign3A_32 : i32 to vector<8x128xi32>
    %sign3A_34 = arith.cmpi slt, %iota3A_27, %sign3A_33 : vector<8x128xi32>
    %sign3A_35 = arith.extui %sign3A_34 : vector<8x128xi1> to vector<8x128xi32>
    %sign3A_36 = arith.subi %sign3A_31, %sign3A_35 : vector<8x128xi32>
    %sign3A_37 = arith.constant 0 : i32
    %sign3A_38 = arith.cmpi sgt, %jit3A, %sign3A_37 : i32
    %sign3A_39 = arith.extui %sign3A_38 : i1 to i32
    %sign3A_40 = arith.constant 0 : i32
    %sign3A_41 = arith.cmpi slt, %jit3A, %sign3A_40 : i32
    %sign3A_42 = arith.extui %sign3A_41 : i1 to i32
    %sign3A_43 = arith.subi %sign3A_39, %sign3A_42 : i32
    %ne3A = vector.broadcast %sign3A_43 : i32 to vector<8x128xi32>
    %ne3A_44 = arith.cmpi ne, %sign3A_36, %ne3A : vector<8x128xi32>
    %rem3A = vector.broadcast %jit3A : i32 to vector<8x128xi32>
    %rem3A_45 = arith.remsi %iota3A_27, %rem3A : vector<8x128xi32>
    %ne3A_46 = arith.constant 0 : i32
    %ne3A_47 = vector.broadcast %ne3A_46 : i32 to vector<8x128xi32>
    %ne3A_48 = arith.cmpi ne, %rem3A_45, %ne3A_47 : vector<8x128xi32>
    %and3A = arith.andi %ne3A_44, %ne3A_48 : vector<8x128xi1>
    %sub3A = arith.constant 1 : i32
    %sub3A_49 = vector.broadcast %sub3A : i32 to vector<8x128xi32>
    %sub3A_50 = arith.subi %div3A_28, %sub3A_49 : vector<8x128xi32>
    %select_n3A = arith.select %and3A, %sub3A_50, %div3A_28 : vector<8x128xi1>, vector<8x128xi32>
    %eq3A = arith.cmpi eq, %iota3A, %select_n3A : vector<8x128xi32>
    %convert_element_type3A = arith.extui %eq3A : vector<8x128xi1> to vector<8x128xi32>
    %convert_element_type3A_51 = arith.sitofp %convert_element_type3A : vector<8x128xi32> to vector<8x128xf32>
    %dot_general3A = arith.constant dense<0.000000e+00> : vector<1250x128xf32>
    %dot_general3A_52 = tpu.matmul %rsqrt3A, %convert_element_type3A_51, %dot_general3A {dimension_numbers = #tpu.dot_dimension_numbers<[1], [0], [0], [1], [0, 0, 1, 1], [], []>, transpose_lhs_hint = false} : vector<1250x8xf32>, vector<8x128xf32>, vector<1250x128xf32> -> vector<1250x128xf32>
    %mul3A = arith.mulf %add3A_12, %dot_general3A_52 : vector<1250x128xf32>
    %get3A_53 = arith.constant 0 : index
    %get3A_54 = arith.constant 0 : index
    %get3A_55 = vector.load %arg3[%get3A_53, %get3A_54] : memref<1x128xf32, #tpu.memory_space<vmem>>, vector<1x128xf32>
    %add3A_56 = vector.broadcast %get3A_55 : vector<1x128xf32> to vector<1250x128xf32>
    %add3A_57 = arith.addf %mul3A, %add3A_56 : vector<1250x128xf32>
    %max3A = arith.constant 0.000000e+00 : f32
    %max3A_58 = vector.broadcast %max3A : f32 to vector<1250x128xf32>
    %max3A_59 = arith.maximumf %add3A_57, %max3A_58 : vector<1250x128xf32>
    %exp3A = math.exp %max3A_59 : vector<1250x128xf32>
    %iota3A_60 = tpu.iota {dimensions = array<i32: 0>} : vector<128x128xi32>
    %jit3A_61 = arith.constant 16 : i32
    %div3A_62 = vector.broadcast %jit3A_61 : i32 to vector<128x128xi32>
    %div3A_63 = arith.divsi %iota3A_60, %div3A_62 : vector<128x128xi32>
    %sign3A_64 = arith.constant 0 : i32
    %sign3A_65 = vector.broadcast %sign3A_64 : i32 to vector<128x128xi32>
    %sign3A_66 = arith.cmpi sgt, %iota3A_60, %sign3A_65 : vector<128x128xi32>
    %sign3A_67 = arith.extui %sign3A_66 : vector<128x128xi1> to vector<128x128xi32>
    %sign3A_68 = arith.constant 0 : i32
    %sign3A_69 = vector.broadcast %sign3A_68 : i32 to vector<128x128xi32>
    %sign3A_70 = arith.cmpi slt, %iota3A_60, %sign3A_69 : vector<128x128xi32>
    %sign3A_71 = arith.extui %sign3A_70 : vector<128x128xi1> to vector<128x128xi32>
    %sign3A_72 = arith.subi %sign3A_67, %sign3A_71 : vector<128x128xi32>
    %sign3A_73 = arith.constant 0 : i32
    %sign3A_74 = arith.cmpi sgt, %jit3A_61, %sign3A_73 : i32
    %sign3A_75 = arith.extui %sign3A_74 : i1 to i32
    %sign3A_76 = arith.constant 0 : i32
    %sign3A_77 = arith.cmpi slt, %jit3A_61, %sign3A_76 : i32
    %sign3A_78 = arith.extui %sign3A_77 : i1 to i32
    %sign3A_79 = arith.subi %sign3A_75, %sign3A_78 : i32
    %ne3A_80 = vector.broadcast %sign3A_79 : i32 to vector<128x128xi32>
    %ne3A_81 = arith.cmpi ne, %sign3A_72, %ne3A_80 : vector<128x128xi32>
    %rem3A_82 = vector.broadcast %jit3A_61 : i32 to vector<128x128xi32>
    %rem3A_83 = arith.remsi %iota3A_60, %rem3A_82 : vector<128x128xi32>
    %ne3A_84 = arith.constant 0 : i32
    %ne3A_85 = vector.broadcast %ne3A_84 : i32 to vector<128x128xi32>
    %ne3A_86 = arith.cmpi ne, %rem3A_83, %ne3A_85 : vector<128x128xi32>
    %and3A_87 = arith.andi %ne3A_81, %ne3A_86 : vector<128x128xi1>
    %sub3A_88 = arith.constant 1 : i32
    %sub3A_89 = vector.broadcast %sub3A_88 : i32 to vector<128x128xi32>
    %sub3A_90 = arith.subi %div3A_63, %sub3A_89 : vector<128x128xi32>
    %select_n3A_91 = arith.select %and3A_87, %sub3A_90, %div3A_63 : vector<128x128xi1>, vector<128x128xi32>
    %iota3A_92 = tpu.iota {dimensions = array<i32: 1>} : vector<128x128xi32>
    %jit3A_93 = arith.constant 16 : i32
    %div3A_94 = vector.broadcast %jit3A_93 : i32 to vector<128x128xi32>
    %div3A_95 = arith.divsi %iota3A_92, %div3A_94 : vector<128x128xi32>
    %sign3A_96 = arith.constant 0 : i32
    %sign3A_97 = vector.broadcast %sign3A_96 : i32 to vector<128x128xi32>
    %sign3A_98 = arith.cmpi sgt, %iota3A_92, %sign3A_97 : vector<128x128xi32>
    %sign3A_99 = arith.extui %sign3A_98 : vector<128x128xi1> to vector<128x128xi32>
    %sign3A_100 = arith.constant 0 : i32
    %sign3A_101 = vector.broadcast %sign3A_100 : i32 to vector<128x128xi32>
    %sign3A_102 = arith.cmpi slt, %iota3A_92, %sign3A_101 : vector<128x128xi32>
    %sign3A_103 = arith.extui %sign3A_102 : vector<128x128xi1> to vector<128x128xi32>
    %sign3A_104 = arith.subi %sign3A_99, %sign3A_103 : vector<128x128xi32>
    %sign3A_105 = arith.constant 0 : i32
    %sign3A_106 = arith.cmpi sgt, %jit3A_93, %sign3A_105 : i32
    %sign3A_107 = arith.extui %sign3A_106 : i1 to i32
    %sign3A_108 = arith.constant 0 : i32
    %sign3A_109 = arith.cmpi slt, %jit3A_93, %sign3A_108 : i32
    %sign3A_110 = arith.extui %sign3A_109 : i1 to i32
    %sign3A_111 = arith.subi %sign3A_107, %sign3A_110 : i32
    %ne3A_112 = vector.broadcast %sign3A_111 : i32 to vector<128x128xi32>
    %ne3A_113 = arith.cmpi ne, %sign3A_104, %ne3A_112 : vector<128x128xi32>
    %rem3A_114 = vector.broadcast %jit3A_93 : i32 to vector<128x128xi32>
    %rem3A_115 = arith.remsi %iota3A_92, %rem3A_114 : vector<128x128xi32>
    %ne3A_116 = arith.constant 0 : i32
    %ne3A_117 = vector.broadcast %ne3A_116 : i32 to vector<128x128xi32>
    %ne3A_118 = arith.cmpi ne, %rem3A_115, %ne3A_117 : vector<128x128xi32>
    %and3A_119 = arith.andi %ne3A_113, %ne3A_118 : vector<128x128xi1>
    %sub3A_120 = arith.constant 1 : i32
    %sub3A_121 = vector.broadcast %sub3A_120 : i32 to vector<128x128xi32>
    %sub3A_122 = arith.subi %div3A_95, %sub3A_121 : vector<128x128xi32>
    %select_n3A_123 = arith.select %and3A_119, %sub3A_122, %div3A_95 : vector<128x128xi1>, vector<128x128xi32>
    %eq3A_124 = arith.cmpi eq, %select_n3A_91, %select_n3A_123 : vector<128x128xi32>
    %convert_element_type3A_125 = arith.extui %eq3A_124 : vector<128x128xi1> to vector<128x128xi32>
    %convert_element_type3A_126 = arith.sitofp %convert_element_type3A_125 : vector<128x128xi32> to vector<128x128xf32>
    %dot_general3A_127 = arith.constant dense<0.000000e+00> : vector<1250x128xf32>
    %dot_general3A_128 = tpu.matmul %exp3A, %convert_element_type3A_126, %dot_general3A_127 {dimension_numbers = #tpu.dot_dimension_numbers<[1], [0], [0], [1], [0, 0, 1, 1], [], []>, transpose_lhs_hint = false} : vector<1250x128xf32>, vector<128x128xf32>, vector<1250x128xf32> -> vector<1250x128xf32>
    %log3A = math.log %dot_general3A_128 : vector<1250x128xf32>
    %sub3A_129 = arith.subf %max3A_59, %log3A : vector<1250x128xf32>
    %swap3A = arith.constant 0 : index
    %swap3A_130 = arith.constant 0 : index
    %swap3A_131 = vector.load %arg4[%swap3A, %swap3A_130] : memref<1250x128xf32, #tpu.memory_space<vmem>>, vector<1250x128xf32>
    tpu.vector_store %arg4[%swap3A, %swap3A_130], %sub3A_129 {strides = array<i32>} : memref<1250x128xf32, #tpu.memory_space<vmem>>, vector<1250x128xf32>,
    return
  }
}

</mosaic_0001>

<sc_bundles>
// kernel: kernel.10.cloned.1.call-start
scs
__scs_entry_jumppad:
0x0: {  	(pc) =	sbr.rel $0x88, $3  }
0x1: {  	(tag) =	ssettag $0x0;
	lr =	simm.s32 $0x1  }
0x2: {  	[smem:$0x3F9D] =	sst lr;
	_ =	strace $0xD0000000  }
0x3: {  	_ = 	snop  }
0x4: {  	_ = 	snop  }
0x5: {  	_ = 	snop  }
0x6: {  	_ = 	snop  }
0x7: {  	_ = 	snop  }
__scs_overlays_trampoline_lowered:
0x8: {  	[smem:$0x3FAC] =	sst s0  }
0x9: {  	[smem:$0x3FAD] =	sst s1  }
0xa: {  	[smem:$0x3FAE] =	sst s2  }
0xb: {  	[smem:$0x3FAF] =	sst s3  }
0xc: {  	[smem:$0x3FB0] =	sst s4  }
0xd: {  	[smem:$0x3FB1] =	sst s5  }
0xe: {  	[smem:$0x3FB2] =	sst s6  }
0xf: {  	[smem:$0x3FB3] =	sst s7  }
0x10: {  	[smem:$0x3FB4] =	sst s8  }
0x11: {  	[smem:$0x3FB5] =	sst s9;
	s0 =	simm.s32 @!p0 $0x0  }
0x12: {  	s1 =	sld [smem:$0x3F9B];
	s0 =	simm.s32 @p0 $0x1  }
0x13: {  	[smem:$0x3FB6] =	sst s0;
	s0 =	simm.s32 @!p1 $0x0  }
0x14: {  	s2 =	sld [smem:$0x3F9A];
	s0 =	simm.s32 @p1 $0x1  }
0x15: {  	[smem:$0x3FB7] =	sst s0;
	s0 =	simm.s32 @!p2 $0x0  }
0x16: {  	s3 =	sld [smem:$0x3FDB];
	s0 =	simm.s32 @p2 $0x1  }
0x17: {  	s4 =	simm.s32 $0x1BF5;
	[smem:$0x3FB9] =	sst s0  }
0x18: {  	s0 =	sld [smem:$0x3F9C];
	_ =	swait.ge [sflag:s4], $0x0  }
0x19: {  	s7 =	sld [smem:$0x3F9D]  }
0x1a: {  	s8 =	sadd.s32 $0xFFFFE003, lr  }
0x1b: {  	s9 =	sadd.s32 $0xFFFFFEF7, lr;
	s5 =	simm.s32 $0xFFFFFFFF;
	p2 =	slt.u32 s8, $0xFFFFF086  }
0x1c: {  	p1 =	slt.u32 s9, $0xF7A;
	s5 =	simm.s32 @!p2 $0x0  }
0x1d: {  	s5 =	simm.s32 @p1 $0x1;
	p0 =	seq.s32 s7, s2  }
0x1e: {  	s7 =	smul.u32 @!p0 $0xF7A, s2;
	p2 =	seq.s32 @!p0 s5, $0x0  }
0x1f: {  	s9 =	smul.u32 $0xF7A, s1;
	s8 =	simm.s32 @!p0 $0x1BF5;
	p2 =	por !p2, p0  }
0x20: {  	[sflag:s8] =	ssyncset.s32 @!p0 $0xFFFFF086;
	s6 =	sadd.s32 @!p0 s3, s7;
	s7 =	simm.s32 @!p0 $0x108  }
0x21: {  	s3 =	sadd.s32 s3, s9;
	s6 =	sadd.s32 @!p0 $0x88, s6;
	s7 =	simm.s32 @p2 $0x1082  }
0x22: {  	[simem:s7], [sflag:s8] =	dma.local @!p0 [hbm:s6], $0xF7A  }
0x23: {  	s9 =	sor.u32 $0xD0000000, s2;
	s6 =	simm.s32 $0x108;
	_ =	swait.ge @!p0 [sflag:s8], $0x0  }
0x24: {  	s3 =	sadd.s32 $0x88, s3;
	s6 =	simm.s32 @!p1 $0x1082;
	[sflag:s4] =	ssyncset.s32 $0xFFFFF086  }
0x25: {  	[simem:s6], [sflag:s4] =	dma.local [hbm:s3], $0xF7A  }
0x26: {  	[smem:$0x3F9D] =	sst s1;
	(tag) =	ssettag s2;
	_ =	strace s9  }
0x27: {  	s1 =	sld [smem:$0x3FAD]  }
0x28: {  	s2 =	sld [smem:$0x3FAE]  }
0x29: {  	s4 =	sld [smem:$0x3FB0]  }
0x2a: {  	p0 =	seq.s32 s5, $0x0;
	s5 =	sld [smem:$0x3FB1]  }
0x2b: {  	s6 =	sld [smem:$0x3FB2]  }
0x2c: {  	s7 =	sld [smem:$0x3FB3]  }
0x2d: {  	s3 =	simm.s32 $0x108;
	s8 =	sld [smem:$0x3FB4]  }
0x2e: {  	s3 =	simm.s32 @!p0 $0x1082;
	s9 =	sld [smem:$0x3FB5]  }
0x2f: {  	lr =	sadd.s32 s0, s3;
	s0 =	sld [smem:$0x3FAC]  }
0x30: {  	s3 =	sld [smem:$0x3FAF]  }
0x31: {  	[smem:$0x3FB8] =	sst s10  }
0x32: {  	s10 =	sld [smem:$0x3FB6];
	_ =	sdelay $0x3  }
0x33: {  	p0 =	seq.s32 s10, $0x1;
	s10 =	sld [smem:$0x3FB8];
	_ =	sdelay $0x3  }
0x34: {  	[smem:$0x3FB8] =	sst s10  }
0x35: {  	s10 =	sld [smem:$0x3FB7];
	_ =	sdelay $0x3  }
0x36: {  	p1 =	seq.s32 s10, $0x1;
	s10 =	sld [smem:$0x3FB8];
	_ =	sdelay $0x3  }
0x37: {  	[smem:$0x3FB8] =	sst s10  }
0x38: {  	s10 =	sld [smem:$0x3FB9]  }
0x39: {  	_ = 	snop;
	(pc) =	sbr.ind lr, $3  }
0x3a: {  	_ = 	snop  }
0x3b: {  	_ = 	snop  }
0x3c: {  	p2 =	seq.s32 s10, $0x1;
	s10 =	sld [smem:$0x3FB8]  }
0x3d: {  	_ =	shalt  }
0x3e: {  	_ =	shalt  }
0x3f: {  	_ =	shalt  }
0x40: {  	_ =	shalt  }
0x41: {  	_ =	shalt  }
0x42: {  	_ =	shalt  }
0x43: {  	_ =	shalt  }
0x44: {  	_ =	shalt  }
0x45: {  	_ =	shalt  }
0x46: {  	_ =	shalt  }
0x47: {  	_ =	shalt  }
0x48: {  	_ =	shalt  }
0x49: {  	_ =	shalt  }
0x4a: {  	_ =	shalt  }
0x4b: {  	_ =	shalt  }
0x4c: {  	_ =	shalt  }
0x4d: {  	_ =	shalt  }
0x4e: {  	_ =	shalt  }
0x4f: {  	_ =	shalt  }
0x50: {  	_ =	shalt  }
0x51: {  	_ =	shalt  }
0x52: {  	_ =	shalt  }
0x53: {  	_ =	shalt  }
0x54: {  	_ =	shalt  }
0x55: {  	_ =	shalt  }
0x56: {  	_ =	shalt  }
0x57: {  	_ =	shalt  }
0x58: {  	_ =	shalt  }
0x59: {  	_ =	shalt  }
0x5a: {  	_ =	shalt  }
0x5b: {  	_ =	shalt  }
0x5c: {  	_ =	shalt  }
0x5d: {  	_ =	shalt  }
0x5e: {  	_ =	shalt  }
0x5f: {  	_ =	shalt  }
0x60: {  	_ =	shalt  }
0x61: {  	_ =	shalt  }
0x62: {  	_ =	shalt  }
0x63: {  	_ =	shalt  }
0x64: {  	_ =	shalt  }
0x65: {  	_ =	shalt  }
0x66: {  	_ =	shalt  }
0x67: {  	_ =	shalt  }
0x68: {  	_ =	shalt  }
0x69: {  	_ =	shalt  }
0x6a: {  	_ =	shalt  }
0x6b: {  	_ =	shalt  }
0x6c: {  	_ =	shalt  }
0x6d: {  	_ =	shalt  }
0x6e: {  	_ =	shalt  }
0x6f: {  	_ =	shalt  }
0x70: {  	_ =	shalt  }
0x71: {  	_ =	shalt  }
0x72: {  	_ =	shalt  }
0x73: {  	_ =	shalt  }
0x74: {  	_ =	shalt  }
0x75: {  	_ =	shalt  }
0x76: {  	_ =	shalt  }
0x77: {  	_ =	shalt  }
0x78: {  	_ =	shalt  }
0x79: {  	_ =	shalt  }
0x7a: {  	_ =	shalt  }
0x7b: {  	_ =	shalt  }
0x7c: {  	_ =	shalt  }
0x7d: {  	_ =	shalt  }
0x7e: {  	_ =	shalt  }
0x7f: {  	_ =	shalt  }
0x80: {  	_ =	shalt  }
0x81: {  	_ =	shalt  }
0x82: {  	_ =	shalt  }
0x83: {  	_ =	shalt  }
0x84: {  	_ =	shalt  }
0x85: {  	_ =	shalt  }
0x86: {  	_ =	shalt  }
0x87: {  	_ =	shalt  }
.Lfunc_end0:
.L_simem_size_0:
called_computation.1_lowered:
.L_overlay_start_0:
0x88: {  	s2 =	sld [smem:$0x3FD9]  }
0x89: {  	s3 =	sld [smem:$0x3FFE];
	_ =	sdelay $0x1  }
0x8a: {  	s1 =	srdreg.scid  }
0x8b: {  	s0 =	sand.u32 $0x1, s1  }
0x8c: {  	s17 =	sshll.u32 s0, $0xA;
	s2 =	sadd.s32 s3, s2  }
0x8d: {  	s2 =	sadd.s32 s2, s17  }
0x8e: {  	[smem:$0x3FC4] =	sst s2  }
0x8f: {  	_ = 	snop  }
0x90: {  	s2 =	sld [smem:$0x3FD0];
	(tm) =	ssettm $0x1  }
0x91: {  	s18 =	sld [smem:$0x3FFB];
	_ =	sdelay $0x3  }
0x92: {  	_ =	strace s18  }
0x93: {  	s3 =	sld [smem:$0x3FFC];
	_ =	sdelay $0x3  }
0x94: {  	_ =	strace s3  }
0x95: {  	s3 =	sld [smem:$0x3FFD];
	_ =	sdelay $0x3  }
0x96: {  	_ =	strace s3  }
0x97: {  	_ =	strace $0x8FFFFFFF  }
0x98: {  	s19 =	sld [smem:$0x3FDB];
	_ =	sdelay $0x1  }
0x99: {  	s4 =	simm.s32 $_scs_section_size  }
0x9a: {  	s5 =	simm.s32 $_size__tile_overlayer_lowered;
	s6 =	simm.s32 $_tile_overlayer_lowered  }
0x9b: {  	s22 =	simm.s32 $0x1BFF;
	s21 =	sshll.u32 s6, $0x1;
	s3 =	sadd.s32 s4, s19  }
0x9c: {  	s7 =	simm.s32 $0x0;
	s20 =	sshll.u32 s5, $0x1;
	s5 =	sadd.s32 s21, s3  }
0x9d: {  	[timem:s7], [sflag:s22] =	dma.local [hbm:s5], s20  }
0x9e: {  	_ =	swait.ge [sflag:s22], s20  }
0x9f: {  	s4 =	ssub.s32 $0x0, s20;
	[sflag:s22] =	ssyncset.done $0x0  }
0xa0: {  	[sflag:s22] =	ssyncadd.s32 s4;
	_ =	sdelay $0x1  }
0xa1: {  	s23 =	simm.s32 $0x1B8B  }
0xa2: {  	_ =	swait.ge [sflag:s23], $0x1  }
0xa3: {  	[sflag:s23] =	ssyncset.done $0x0  }
0xa4: {  	s25 =	simm.s32 $0x1B8E;
	s24 =	sld [smem:$0x3FFE];
	[sflag:s23] =	ssyncadd.s32 $0xFFFFFFFF  }
0xa5: {  	s26 =	simm.s32 $execute0_lowered;
	[smem:$0x3FD2] =	sst s25  }
0xa6: {  	s5 =	sshll.u32 s26, $0x1;
	_ =	strace $0x80000049;
	[dreg:$0x1] =	wrdreg $0xFFFFFFFF  }
0xa7: {  	s28 =	simm.s32 $_size_execute0_lowered;
	s3 =	sadd.s32 s3, s5;
	[dreg:$0x0] =	wrdreg $0x0  }
0xa8: {  	s5 =	sshll.u32 s28, $0x1;
	[dreg:$0x2] =	wrdreg s3  }
0xa9: {  	[dreg:$0x3] =	wrdreg s5  }
0xaa: {  	[dreg:$0x4] =	wrdreg $0xC0  }
0xab: {  	_ =	task [dreg:s7], $0x5FFFF  }
0xac: {  	[dreg:$0x1] =	wrdreg $0xFFFFFFFF  }
0xad: {  	[dreg:$0x0] =	wrdreg $0x60  }
0xae: {  	[dreg:$0x2] =	wrdreg s2  }
0xaf: {  	[dreg:$0x3] =	wrdreg s24  }
0xb0: {  	[dreg:$0x4] =	wrdreg $0x170200  }
0xb1: {  	[dreg:$0x5] =	wrdreg $0x9  }
0xb2: {  	_ =	task.clear_ibuf [dreg:s7], $0x6FFFF;
	_ =	strace $0x90000049  }
0xb3: {  	s29 =	simm.s32 $0x9;
	_ =	strace $0x8000004B  }
0xb4: {  	_ =	swait.ge [sflag:s29], $0x1  }
0xb5: {  	[sflag:s29] =	ssyncadd.s32 $0xFFFFFFFF  }
0xb6: {  	_ =	strace $0x9000004B  }
0xb7: {  	_ =	sfence  }
0xb8: {  	s30 =	sld [smem:$0x0];
	_ =	sdelay $0x2  }
0xb9: {  	s31 =	sshll.u32 s1, $0xD;
	s1 =	sshrl.u32 s1, $0x2  }
0xba: {  	s3 =	sand.u32 $0x4000, s31;
	s1 =	sadd.s32 s1, s30  }
0xbb: {  	s0 =	sor.u32 s3, s0;
	s1 =	sshll.u32 s1, $0x11  }
0xbc: {  	s0 =	sor.u32 s1, s0  }
0xbd: {  	s0 =	sadd.s32 $0x8F2B, s0  }
0xbe: {  	[sflag:s0] =	ssyncadd.remote.s32 $0x1  }
0xbf: {  	_ =	sfence.sel $0xFFFF  }
0xc0: {  	[dreg:$0x0] =	wrdreg $0xFFFFFFFF;
	(pc) =	sbr.abs _section_cstart, $3  }
0xc1: {  	[dreg:$0x1] =	wrdreg $0xFFFFFFFF  }
0xc2: {  	_ =	task.clear_ibuf [dreg:s7], $0x2FFFF;
	_ =	strace $0x9FFFFFFF  }
0xc3: {  	(tm) =	ssettm $0x7FFFFFFF  }
tec
execute0_lowered:
.L_overlay_start_1:
0x0: {  	(tag) =	ssettag $0x1  }
0x1: {  	s1 =	rddreg [dreg:$0x0]  }
0x2: {  	s0 =	rddreg [dreg:$0x1]  }
0x3: {  	s3 =	rddreg [dreg:$0x2]  }
0x4: {  	s2 =	srdreg.scid;
	s4 =	stileid.u32;
	s10 =	simm.s32 $0x9  }
0x5: {  	s11 =	simm.s32 $0x2710;
	s13 =	simm.s32 $0x3E8;
	s14 =	simm.s32 $0x4E20  }
0x6: {  	s15 =	simm.s32 $0x8CA0;
	s17 =	simm.s32 $0xCB20;
	s18 =	simm.s32 $0x1  }
0x7: {  	s20 =	simm.s32 $0x109A0;
	s21 =	simm.s32 $0x2;
	s23 =	simm.s32 $0x5  }
0x8: {  	s25 =	simm.s32 $0x3;
	s28 =	simm.s32 $0x6;
	s30 =	simm.s32 $0x4  }
0x9: {  	s16 =	simm.s32 $0x8;
	s26 =	simm.s32 $0x3E80;
	s29 =	simm.s32 $0x2328  }
0xa: {  	s31 =	simm.s32 $0x4268;
	s12 =	simm.s32 $0x4A38;
	s19 =	simm.s32 $0x0  }
0xb: {  	s2 =	sand.u32 $0x1, s2;
	s5 =	sshll.u32 s4, $0x1;
	s7 =	smul.u32 $0x2800, s4  }
0xc: {  	s4 =	simm.s32 $0x0;
	s5 =	sor.u32 s2, s5;
	s6 =	smul.u32 $0x28000, s2  }
0xd: {  	[smem:$0x7FF] =	sst s4;
	s2 =	ssub.s32 $0x2, s2;
	s5 =	smul.u32 $0x2710, s5  }
0xe: {  	_ =	strace $0x8000004A;
	s8 =	sshrl.u32 s2, $0x1;
	s6 =	sadd.s32 s7, s6  }
0xf: {  	s2 =	ssub.s32 s2, s8;
	s5 =	sshrl.u32 s5, $0x3;
	s6 =	sshrl.u32 s6, $0x3  }
0x10: {  	s7 =	sadd.s32 s7, s3;
	s9 =	sadd.s32 s5, s0;
	s0 =	sadd.s32 s6, s0  }
0x11: {  	s5 =	sadd.s32 $0x1A00, s9;
	s6 =	sadd.s32 $0xB640, s9;
	s8 =	sadd.s32 $0x15400, s0  }
0x12: {  	v0 =	vimm.f32 $0.0e+00;
	s9 =	smax.u32 s2, $0x1;
	s0 =	simm.s32 $0x7;
	s2 =	simm.s32 $0x4650  }
.LBB2_1:
0x13: {  	[tilespmem:s4], [sflag:$0x9] =	stream.linear.gather [hbm4b:s5+s4], $0x2710, $0x38;
	[tilespmem:$0x19820] =	vst v63  }
0x14: {  	_ =	swait.ge [sflag:s10], $0x2710  }
0x15: {  	[sflag:s10] =	ssyncset.done $0x0  }
0x16: {  	[sflag:s10] =	ssyncadd.s32 $0xFFFFD8F0  }
0x17: {  	[tilespmem:s11], [sflag:$0x9] =	stream.linear.gather [hbm4b:s6+s4], $0x2710, $0x38;
	[tilespmem:$0x19820] =	vst v63  }
0x18: {  	_ =	swait.ge [sflag:s10], $0x2710  }
0x19: {  	[sflag:s10] =	ssyncset.done $0x0  }
0x1a: {  	s22 =	simm.s32 $0x40;
	s24 =	simm.s32 $0x0;
	[sflag:s10] =	ssyncadd.s32 $0xFFFFD8F0  }
.LBB2_2:
0x1b: {  	p0 =	sne.s32 s22, $0x9FC0;
	[tilespmem:s24+$0x14820] =	vst v0;
	s24 =	smov.u32 s22;
	s22 =	sadd.s32 $0x40, s22  }
.Ltmp0:
0x1c: {  	(pc) =	sbr.rel @p0 .LBB2_2-.Ltmp0, $2  }
0x1d: {  	_ =	sdelay $0x2  }
0x1e: {  	s24 =	sshra.s32 s24, $0x2  }
0x1f: {  	[tilespmem:s24+$0x14820] =	vst v0;
	s22 =	simm.s32 $0x14820  }
0x20: {  	[spmem:s7] =	stream.linear.scatter [tilespmem:s22], [sflag:$0x9], $0x2800, $0x38;
	[tilespmem:$0x19820] =	vst v63  }
0x21: {  	_ =	swait.ge [sflag:s10], $0x2800  }
0x22: {  	[sflag:s10] =	ssyncset.done $0x0  }
0x23: {  	[sflag:s10] =	ssyncadd.s32 $0xFFFFD800  }
0x24: {  	[bflag:$0x0] =	sbarrier.arrive $0xFFFF  }
0x25: {  	[tilespmem:s14], [sflag:$0x1] =	stream.indirect.gather [hbm4b:s1+s13], $0x10, s4, s13, $0xb8;
	[tilespmem:$0x19820] =	vst v63  }
0x26: {  	_ = 	snop  }
0x27: {  	[tilespmem:s15], [sflag:$0x2] =	stream.indirect.gather [hbm4b:s1+s13], $0x10, s13, s13, $0xb8;
	[tilespmem:$0x19820] =	vst v63  }
0x28: {  	s24 =	simm.s32 $0x7D0  }
0x29: {  	[tilespmem:s17], [sflag:$0x3] =	stream.indirect.gather [hbm4b:s1+s13], $0x10, s24, s13, $0xb8;
	[tilespmem:$0x19820] =	vst v63  }
0x2a: {  	_ =	swait.ge [sflag:s18], $0x3E80  }
0x2b: {  	[sflag:s18] =	ssyncset.done $0x0  }
0x2c: {  	[sflag:s18] =	ssyncadd.s32 $0xFFFFC180  }
0x2d: {  	[spmem:s3] =	stream.indirect.scatter.add.f32 [tilespmem:s14], [sflag:$0x5], $0x10, s11, s13, $0xb8;
	[tilespmem:$0x19820] =	vst v63  }
0x2e: {  	s24 =	simm.s32 $0xBB8  }
0x2f: {  	[tilespmem:s20], [sflag:$0x4] =	stream.indirect.gather [hbm4b:s1+s13], $0x10, s24, s13, $0xb8;
	[tilespmem:$0x19820] =	vst v63  }
0x30: {  	_ =	swait.ge [sflag:s21], $0x3E80  }
0x31: {  	[sflag:s21] =	ssyncset.done $0x0  }
0x32: {  	s24 =	simm.s32 $0x2AF8;
	[sflag:s21] =	ssyncadd.s32 $0xFFFFC180  }
0x33: {  	[spmem:s3] =	stream.indirect.scatter.add.f32 [tilespmem:s15], [sflag:$0x6], $0x10, s24, s13, $0xb8;
	[tilespmem:$0x19820] =	vst v63  }
0x34: {  	_ =	swait.ge [sflag:s23], $0x3E80  }
0x35: {  	[sflag:s23] =	ssyncset.done $0x0  }
0x36: {  	s24 =	simm.s32 $0xFA0;
	[sflag:s23] =	ssyncadd.s32 $0xFFFFC180  }
0x37: {  	[tilespmem:s14], [sflag:$0x1] =	stream.indirect.gather [hbm4b:s1+s13], $0x10, s24, s13, $0xb8;
	[tilespmem:$0x19820] =	vst v63  }
0x38: {  	_ =	swait.ge [sflag:s25], $0x3E80  }
0x39: {  	[sflag:s25] =	ssyncset.done $0x0  }
0x3a: {  	s24 =	simm.s32 $0x2EE0;
	[sflag:s25] =	ssyncadd.s32 $0xFFFFC180  }
0x3b: {  	[spmem:s3] =	stream.indirect.scatter.add.f32 [tilespmem:s17], [sflag:$0x7], $0x10, s24, s13, $0xb8;
	[tilespmem:$0x19820] =	vst v63  }
0x3c: {  	_ =	swait.ge [sflag:s28], $0x3E80  }
0x3d: {  	[sflag:s28] =	ssyncset.done $0x0  }
0x3e: {  	s24 =	simm.s32 $0x1388;
	[sflag:s28] =	ssyncadd.s32 $0xFFFFC180  }
0x3f: {  	[tilespmem:s15], [sflag:$0x2] =	stream.indirect.gather [hbm4b:s1+s13], $0x10, s24, s13, $0xb8;
	[tilespmem:$0x19820] =	vst v63  }
0x40: {  	_ =	swait.ge [sflag:s30], $0x3E80  }
0x41: {  	[sflag:s30] =	ssyncset.done $0x0  }
0x42: {  	s24 =	simm.s32 $0x32C8;
	[sflag:s30] =	ssyncadd.s32 $0xFFFFC180  }
0x43: {  	[spmem:s3] =	stream.indirect.scatter.add.f32 [tilespmem:s20], [sflag:$0x8], $0x10, s24, s13, $0xb8;
	[tilespmem:$0x19820] =	vst v63  }
0x44: {  	_ =	swait.ge [sflag:s0], $0x3E80  }
0x45: {  	[sflag:s0] =	ssyncset.done $0x0  }
0x46: {  	s24 =	simm.s32 $0x1770;
	[sflag:s0] =	ssyncadd.s32 $0xFFFFC180  }
0x47: {  	[tilespmem:s17], [sflag:$0x3] =	stream.indirect.gather [hbm4b:s1+s13], $0x10, s24, s13, $0xb8;
	[tilespmem:$0x19820] =	vst v63  }
0x48: {  	_ =	swait.ge [sflag:s18], $0x3E80  }
0x49: {  	[sflag:s18] =	ssyncset.done $0x0  }
0x4a: {  	s24 =	simm.s32 $0x36B0;
	[sflag:s18] =	ssyncadd.s32 $0xFFFFC180  }
0x4b: {  	[spmem:s3] =	stream.indirect.scatter.add.f32 [tilespmem:s14], [sflag:$0x5], $0x10, s24, s13, $0xb8;
	[tilespmem:$0x19820] =	vst v63  }
0x4c: {  	_ =	swait.ge [sflag:s16], $0x3E80  }
0x4d: {  	[sflag:s16] =	ssyncset.done $0x0  }
0x4e: {  	s24 =	simm.s32 $0x1B58;
	[sflag:s16] =	ssyncadd.s32 $0xFFFFC180  }
0x4f: {  	[tilespmem:s20], [sflag:$0x4] =	stream.indirect.gather [hbm4b:s1+s13], $0x10, s24, s13, $0xb8;
	[tilespmem:$0x19820] =	vst v63  }
0x50: {  	_ =	swait.ge [sflag:s21], $0x3E80  }
0x51: {  	[sflag:s21] =	ssyncset.done $0x0  }
0x52: {  	s24 =	simm.s32 $0x3A98;
	[sflag:s21] =	ssyncadd.s32 $0xFFFFC180  }
0x53: {  	[spmem:s3] =	stream.indirect.scatter.add.f32 [tilespmem:s15], [sflag:$0x6], $0x10, s24, s13, $0xb8;
	[tilespmem:$0x19820] =	vst v63  }
0x54: {  	_ =	swait.ge [sflag:s23], $0x3E80  }
0x55: {  	[sflag:s23] =	ssyncset.done $0x0  }
0x56: {  	s24 =	simm.s32 $0x1F40;
	[sflag:s23] =	ssyncadd.s32 $0xFFFFC180  }
0x57: {  	[tilespmem:s14], [sflag:$0x1] =	stream.indirect.gather [hbm4b:s1+s13], $0x10, s24, s13, $0xb8;
	[tilespmem:$0x19820] =	vst v63  }
0x58: {  	_ =	swait.ge [sflag:s25], $0x3E80  }
0x59: {  	[sflag:s25] =	ssyncset.done $0x0  }
0x5a: {  	[sflag:s25] =	ssyncadd.s32 $0xFFFFC180  }
0x5b: {  	[spmem:s3] =	stream.indirect.scatter.add.f32 [tilespmem:s17], [sflag:$0x7], $0x10, s26, s13, $0xb8;
	[tilespmem:$0x19820] =	vst v63  }
0x5c: {  	_ =	swait.ge [sflag:s28], $0x3E80  }
0x5d: {  	[sflag:s28] =	ssyncset.done $0x0  }
0x5e: {  	[sflag:s28] =	ssyncadd.s32 $0xFFFFC180  }
0x5f: {  	[tilespmem:s15], [sflag:$0x2] =	stream.indirect.gather [hbm4b:s1+s13], $0x10, s29, s13, $0xb8;
	[tilespmem:$0x19820] =	vst v63  }
0x60: {  	_ =	swait.ge [sflag:s30], $0x3E80  }
0x61: {  	[sflag:s30] =	ssyncset.done $0x0  }
0x62: {  	[sflag:s30] =	ssyncadd.s32 $0xFFFFC180  }
0x63: {  	[spmem:s3] =	stream.indirect.scatter.add.f32 [tilespmem:s20], [sflag:$0x8], $0x10, s31, s13, $0xb8;
	[tilespmem:$0x19820] =	vst v63  }
0x64: {  	_ =	swait.ge [sflag:s18], $0x3E80  }
0x65: {  	[sflag:s18] =	ssyncset.done $0x0  }
0x66: {  	[sflag:s18] =	ssyncadd.s32 $0xFFFFC180  }
0x67: {  	[spmem:s3] =	stream.indirect.scatter.add.f32 [tilespmem:s14], [sflag:$0x5], $0x10, s2, s13, $0xb8;
	[tilespmem:$0x19820] =	vst v63  }
0x68: {  	_ =	swait.ge [sflag:s21], $0x3E80  }
0x69: {  	[sflag:s21] =	ssyncset.done $0x0  }
0x6a: {  	[sflag:s21] =	ssyncadd.s32 $0xFFFFC180  }
0x6b: {  	[spmem:s3] =	stream.indirect.scatter.add.f32 [tilespmem:s15], [sflag:$0x6], $0x10, s12, s13, $0xb8;
	[tilespmem:$0x19820] =	vst v63  }
0x6c: {  	_ =	swait.ge [sflag:s23], $0x3E80  }
0x6d: {  	[sflag:s23] =	ssyncset.done $0x0  }
0x6e: {  	[sflag:s23] =	ssyncadd.s32 $0xFFFFC180  }
0x6f: {  	_ =	swait.ge [sflag:s28], $0x3E80  }
0x70: {  	[sflag:s28] =	ssyncset.done $0x0  }
0x71: {  	[sflag:s28] =	ssyncadd.s32 $0xFFFFC180  }
0x72: {  	_ =	swait.ge [sflag:s0], $0x3E80  }
0x73: {  	[sflag:s0] =	ssyncset.done $0x0  }
0x74: {  	[sflag:s0] =	ssyncadd.s32 $0xFFFFC180  }
0x75: {  	s19 =	sadd.s32 $0x1, s19;
	_ =	swait.ge [sflag:s16], $0x3E80  }
0x76: {  	p0 =	sne.s32 s19, s9;
	s24 =	stileid.u32;
	[sflag:s16] =	ssyncset.done $0x0  }
0x77: {  	s22 =	sshll.u32 s24, $0x6;
	s24 =	sshrl.u32 s7, $0x3;
	[sflag:s16] =	ssyncadd.s32 $0xFFFFC180  }
.Ltmp1:
0x78: {  	s22 =	sor.u32 $0x1C09, s22;
	[bflag:$0x0] =	sbarrier.arrive $0xFFFF;
	(pc) =	sbr.rel @p0 .LBB2_1-.Ltmp1, $4  }
0x79: {  	[hbm:s8], [sflag:s22] =	dma.local [spmem:s24], $0x500  }
0x7a: {  	_ =	swait.ge [sflag:s10], $0x500  }
0x7b: {  	[sflag:s10] =	ssyncset.done $0x0  }
0x7c: {  	[sflag:s10] =	ssyncadd.s32 $0xFFFFFB00  }
0x7d: {  	_ =	sfence.sel $0x180000  }
0x7e: {  	[bflag:$0x0] =	sbarrier.arrive $0xFFFF  }
0x7f: {  	_ =	strace $0x9000004A  }
0x80: {  	s0 =	stileid.u32;
	[bflag:$0x2] =	sbarrier.arrive $0xFFFF  }
0x81: {  	p0 =	sne.s32 s0, $0x0;
	s0 =	rddreg [dreg:$0x3]  }
0x82: {  	s0 =	sadd.s32 @!p0 $0x100000, s0  }
0x83: {  	[sflag:s0] =	ssyncadd.tile.s32 @!p0 $0x1;
	_ =	shalt  }
.Lfunc_end2:
_tile_overlayer_lowered:
.L_overlay_start_2:
0x84: {  	(tag) =	ssettag $0x2  }
0x85: {  	s0 =	rddreg [dreg:$0x0];
	s2 =	stileid.u32  }
0x86: {  	s1 =	rddreg [dreg:$0x1];
	p0 =	sne.s32 s2, $0x0  }
0x87: {  	s3 =	rddreg [dreg:$0x2];
	[bflag:$0x3] =	sbarrier.arrive $0xFFFF;
	s2 =	simm.s32 @!p0 $0x1C09  }
0x88: {  	[timem:s3], [sflag:s2] =	dma.local @!p0 [hbm:s0], s1  }
0x89: {  	s0 =	simm.s32 @!p0 $0x9  }
0x8a: {  	_ =	swait.ge @!p0 [sflag:s0], s1  }
0x8b: {  	s1 =	ssub.s32 @!p0 $0x0, s1;
	[sflag:s0] =	ssyncset.done @!p0 $0x0  }
0x8c: {  	[sflag:s0] =	ssyncadd.s32 @!p0 s1  }
0x8d: {  	[bflag:$0x3] =	sbarrier.arrive $0xFFFF  }
0x8e: {  	_ =	shalt  }

// kernel: kernel.7.cloned.1.call-start
scs
__scs_entry_jumppad:
0x0: {  	(pc) =	sbr.rel $0x88, $3  }
0x1: {  	(tag) =	ssettag $0x0;
	lr =	simm.s32 $0x1  }
0x2: {  	[smem:$0x3F9D] =	sst lr;
	_ =	strace $0xD0000000  }
0x3: {  	_ = 	snop  }
0x4: {  	_ = 	snop  }
0x5: {  	_ = 	snop  }
0x6: {  	_ = 	snop  }
0x7: {  	_ = 	snop  }
__scs_overlays_trampoline_lowered:
0x8: {  	[smem:$0x3FAC] =	sst s0  }
0x9: {  	[smem:$0x3FAD] =	sst s1  }
0xa: {  	[smem:$0x3FAE] =	sst s2  }
0xb: {  	[smem:$0x3FAF] =	sst s3  }
0xc: {  	[smem:$0x3FB0] =	sst s4  }
0xd: {  	[smem:$0x3FB1] =	sst s5  }
0xe: {  	[smem:$0x3FB2] =	sst s6  }
0xf: {  	[smem:$0x3FB3] =	sst s7  }
0x10: {  	[smem:$0x3FB4] =	sst s8  }
0x11: {  	[smem:$0x3FB5] =	sst s9;
	s0 =	simm.s32 @!p0 $0x0  }
0x12: {  	s1 =	sld [smem:$0x3F9B];
	s0 =	simm.s32 @p0 $0x1  }
0x13: {  	[smem:$0x3FB6] =	sst s0;
	s0 =	simm.s32 @!p1 $0x0  }
0x14: {  	s2 =	sld [smem:$0x3F9A];
	s0 =	simm.s32 @p1 $0x1  }
0x15: {  	[smem:$0x3FB7] =	sst s0;
	s0 =	simm.s32 @!p2 $0x0  }
0x16: {  	s3 =	sld [smem:$0x3FDB];
	s0 =	simm.s32 @p2 $0x1  }
0x17: {  	s4 =	simm.s32 $0x1BF5;
	[smem:$0x3FB9] =	sst s0  }
0x18: {  	s0 =	sld [smem:$0x3F9C];
	_ =	swait.ge [sflag:s4], $0x0  }
0x19: {  	s7 =	sld [smem:$0x3F9D]  }
0x1a: {  	s8 =	sadd.s32 $0xFFFFE003, lr  }
0x1b: {  	s9 =	sadd.s32 $0xFFFFFEF7, lr;
	s5 =	simm.s32 $0xFFFFFFFF;
	p2 =	slt.u32 s8, $0xFFFFF086  }
0x1c: {  	p1 =	slt.u32 s9, $0xF7A;
	s5 =	simm.s32 @!p2 $0x0  }
0x1d: {  	s5 =	simm.s32 @p1 $0x1;
	p0 =	seq.s32 s7, s2  }
0x1e: {  	s7 =	smul.u32 @!p0 $0xF7A, s2;
	p2 =	seq.s32 @!p0 s5, $0x0  }
0x1f: {  	s9 =	smul.u32 $0xF7A, s1;
	s8 =	simm.s32 @!p0 $0x1BF5;
	p2 =	por !p2, p0  }
0x20: {  	[sflag:s8] =	ssyncset.s32 @!p0 $0xFFFFF086;
	s6 =	sadd.s32 @!p0 s3, s7;
	s7 =	simm.s32 @!p0 $0x108  }
0x21: {  	s3 =	sadd.s32 s3, s9;
	s6 =	sadd.s32 @!p0 $0x88, s6;
	s7 =	simm.s32 @p2 $0x1082  }
0x22: {  	[simem:s7], [sflag:s8] =	dma.local @!p0 [hbm:s6], $0xF7A  }
0x23: {  	s9 =	sor.u32 $0xD0000000, s2;
	s6 =	simm.s32 $0x108;
	_ =	swait.ge @!p0 [sflag:s8], $0x0  }
0x24: {  	s3 =	sadd.s32 $0x88, s3;
	s6 =	simm.s32 @!p1 $0x1082;
	[sflag:s4] =	ssyncset.s32 $0xFFFFF086  }
0x25: {  	[simem:s6], [sflag:s4] =	dma.local [hbm:s3], $0xF7A  }
0x26: {  	[smem:$0x3F9D] =	sst s1;
	(tag) =	ssettag s2;
	_ =	strace s9  }
0x27: {  	s1 =	sld [smem:$0x3FAD]  }
0x28: {  	s2 =	sld [smem:$0x3FAE]  }
0x29: {  	s4 =	sld [smem:$0x3FB0]  }
0x2a: {  	p0 =	seq.s32 s5, $0x0;
	s5 =	sld [smem:$0x3FB1]  }
0x2b: {  	s6 =	sld [smem:$0x3FB2]  }
0x2c: {  	s7 =	sld [smem:$0x3FB3]  }
0x2d: {  	s3 =	simm.s32 $0x108;
	s8 =	sld [smem:$0x3FB4]  }
0x2e: {  	s3 =	simm.s32 @!p0 $0x1082;
	s9 =	sld [smem:$0x3FB5]  }
0x2f: {  	lr =	sadd.s32 s0, s3;
	s0 =	sld [smem:$0x3FAC]  }
0x30: {  	s3 =	sld [smem:$0x3FAF]  }
0x31: {  	[smem:$0x3FB8] =	sst s10  }
0x32: {  	s10 =	sld [smem:$0x3FB6];
	_ =	sdelay $0x3  }
0x33: {  	p0 =	seq.s32 s10, $0x1;
	s10 =	sld [smem:$0x3FB8];
	_ =	sdelay $0x3  }
0x34: {  	[smem:$0x3FB8] =	sst s10  }
0x35: {  	s10 =	sld [smem:$0x3FB7];
	_ =	sdelay $0x3  }
0x36: {  	p1 =	seq.s32 s10, $0x1;
	s10 =	sld [smem:$0x3FB8];
	_ =	sdelay $0x3  }
0x37: {  	[smem:$0x3FB8] =	sst s10  }
0x38: {  	s10 =	sld [smem:$0x3FB9]  }
0x39: {  	_ = 	snop;
	(pc) =	sbr.ind lr, $3  }
0x3a: {  	_ = 	snop  }
0x3b: {  	_ = 	snop  }
0x3c: {  	p2 =	seq.s32 s10, $0x1;
	s10 =	sld [smem:$0x3FB8]  }
0x3d: {  	_ =	shalt  }
0x3e: {  	_ =	shalt  }
0x3f: {  	_ =	shalt  }
0x40: {  	_ =	shalt  }
0x41: {  	_ =	shalt  }
0x42: {  	_ =	shalt  }
0x43: {  	_ =	shalt  }
0x44: {  	_ =	shalt  }
0x45: {  	_ =	shalt  }
0x46: {  	_ =	shalt  }
0x47: {  	_ =	shalt  }
0x48: {  	_ =	shalt  }
0x49: {  	_ =	shalt  }
0x4a: {  	_ =	shalt  }
0x4b: {  	_ =	shalt  }
0x4c: {  	_ =	shalt  }
0x4d: {  	_ =	shalt  }
0x4e: {  	_ =	shalt  }
0x4f: {  	_ =	shalt  }
0x50: {  	_ =	shalt  }
0x51: {  	_ =	shalt  }
0x52: {  	_ =	shalt  }
0x53: {  	_ =	shalt  }
0x54: {  	_ =	shalt  }
0x55: {  	_ =	shalt  }
0x56: {  	_ =	shalt  }
0x57: {  	_ =	shalt  }
0x58: {  	_ =	shalt  }
0x59: {  	_ =	shalt  }
0x5a: {  	_ =	shalt  }
0x5b: {  	_ =	shalt  }
0x5c: {  	_ =	shalt  }
0x5d: {  	_ =	shalt  }
0x5e: {  	_ =	shalt  }
0x5f: {  	_ =	shalt  }
0x60: {  	_ =	shalt  }
0x61: {  	_ =	shalt  }
0x62: {  	_ =	shalt  }
0x63: {  	_ =	shalt  }
0x64: {  	_ =	shalt  }
0x65: {  	_ =	shalt  }
0x66: {  	_ =	shalt  }
0x67: {  	_ =	shalt  }
0x68: {  	_ =	shalt  }
0x69: {  	_ =	shalt  }
0x6a: {  	_ =	shalt  }
0x6b: {  	_ =	shalt  }
0x6c: {  	_ =	shalt  }
0x6d: {  	_ =	shalt  }
0x6e: {  	_ =	shalt  }
0x6f: {  	_ =	shalt  }
0x70: {  	_ =	shalt  }
0x71: {  	_ =	shalt  }
0x72: {  	_ =	shalt  }
0x73: {  	_ =	shalt  }
0x74: {  	_ =	shalt  }
0x75: {  	_ =	shalt  }
0x76: {  	_ =	shalt  }
0x77: {  	_ =	shalt  }
0x78: {  	_ =	shalt  }
0x79: {  	_ =	shalt  }
0x7a: {  	_ =	shalt  }
0x7b: {  	_ =	shalt  }
0x7c: {  	_ =	shalt  }
0x7d: {  	_ =	shalt  }
0x7e: {  	_ =	shalt  }
0x7f: {  	_ =	shalt  }
0x80: {  	_ =	shalt  }
0x81: {  	_ =	shalt  }
0x82: {  	_ =	shalt  }
0x83: {  	_ =	shalt  }
0x84: {  	_ =	shalt  }
0x85: {  	_ =	shalt  }
0x86: {  	_ =	shalt  }
0x87: {  	_ =	shalt  }
.Lfunc_end0:
.L_simem_size_0:
called_computation_lowered:
.L_overlay_start_0:
0x88: {  	s2 =	sld [smem:$0x3FD9]  }
0x89: {  	s3 =	sld [smem:$0x3FFE];
	_ =	sdelay $0x1  }
0x8a: {  	s1 =	srdreg.scid  }
0x8b: {  	s0 =	sand.u32 $0x1, s1  }
0x8c: {  	s17 =	sshll.u32 s0, $0xA;
	s2 =	sadd.s32 s3, s2  }
0x8d: {  	s2 =	sadd.s32 s2, s17  }
0x8e: {  	[smem:$0x3FC4] =	sst s2  }
0x8f: {  	_ = 	snop  }
0x90: {  	s2 =	sld [smem:$0x3FD0];
	(tm) =	ssettm $0x1  }
0x91: {  	s18 =	sld [smem:$0x3FFB];
	_ =	sdelay $0x3  }
0x92: {  	_ =	strace s18  }
0x93: {  	s3 =	sld [smem:$0x3FFC];
	_ =	sdelay $0x3  }
0x94: {  	_ =	strace s3  }
0x95: {  	s3 =	sld [smem:$0x3FFD];
	_ =	sdelay $0x3  }
0x96: {  	_ =	strace s3  }
0x97: {  	_ =	strace $0x8FFFFFFF  }
0x98: {  	s19 =	sld [smem:$0x3FDB];
	_ =	sdelay $0x1  }
0x99: {  	s4 =	simm.s32 $_scs_section_size  }
0x9a: {  	s5 =	simm.s32 $_size__tile_overlayer_lowered;
	s6 =	simm.s32 $_tile_overlayer_lowered  }
0x9b: {  	s22 =	simm.s32 $0x1BFF;
	s21 =	sshll.u32 s6, $0x1;
	s3 =	sadd.s32 s4, s19  }
0x9c: {  	s7 =	simm.s32 $0x0;
	s20 =	sshll.u32 s5, $0x1;
	s5 =	sadd.s32 s21, s3  }
0x9d: {  	[timem:s7], [sflag:s22] =	dma.local [hbm:s5], s20  }
0x9e: {  	_ =	swait.ge [sflag:s22], s20  }
0x9f: {  	s4 =	ssub.s32 $0x0, s20;
	[sflag:s22] =	ssyncset.done $0x0  }
0xa0: {  	[sflag:s22] =	ssyncadd.s32 s4;
	_ =	sdelay $0x1  }
0xa1: {  	s23 =	simm.s32 $0x1B8B  }
0xa2: {  	_ =	swait.ge [sflag:s23], $0x1  }
0xa3: {  	[sflag:s23] =	ssyncset.done $0x0  }
0xa4: {  	s25 =	simm.s32 $0x1B8E;
	s24 =	sld [smem:$0x3FFE];
	[sflag:s23] =	ssyncadd.s32 $0xFFFFFFFF  }
0xa5: {  	s26 =	simm.s32 $execute0_lowered;
	[smem:$0x3FD2] =	sst s25  }
0xa6: {  	s5 =	sshll.u32 s26, $0x1;
	_ =	strace $0x80000046;
	[dreg:$0x1] =	wrdreg $0xFFFFFFFF  }
0xa7: {  	s28 =	simm.s32 $_size_execute0_lowered;
	s3 =	sadd.s32 s3, s5;
	[dreg:$0x0] =	wrdreg $0x0  }
0xa8: {  	s5 =	sshll.u32 s28, $0x1;
	[dreg:$0x2] =	wrdreg s3  }
0xa9: {  	[dreg:$0x3] =	wrdreg s5  }
0xaa: {  	[dreg:$0x4] =	wrdreg $0xC0  }
0xab: {  	_ =	task [dreg:s7], $0x5FFFF  }
0xac: {  	[dreg:$0x1] =	wrdreg $0xFFFFFFFF  }
0xad: {  	[dreg:$0x0] =	wrdreg $0x60  }
0xae: {  	[dreg:$0x2] =	wrdreg s24  }
0xaf: {  	[dreg:$0x3] =	wrdreg s2  }
0xb0: {  	[dreg:$0x4] =	wrdreg $0x2D780  }
0xb1: {  	[dreg:$0x5] =	wrdreg $0x9  }
0xb2: {  	_ =	task.clear_ibuf [dreg:s7], $0x6FFFF;
	_ =	strace $0x90000046  }
0xb3: {  	s29 =	simm.s32 $0x9;
	_ =	strace $0x80000048  }
0xb4: {  	_ =	swait.ge [sflag:s29], $0x1  }
0xb5: {  	[sflag:s29] =	ssyncadd.s32 $0xFFFFFFFF  }
0xb6: {  	_ =	strace $0x90000048  }
0xb7: {  	_ =	sfence  }
0xb8: {  	s30 =	sld [smem:$0x0];
	_ =	sdelay $0x2  }
0xb9: {  	s31 =	sshll.u32 s1, $0xD;
	s1 =	sshrl.u32 s1, $0x2  }
0xba: {  	s3 =	sand.u32 $0x4000, s31;
	s1 =	sadd.s32 s1, s30  }
0xbb: {  	s0 =	sor.u32 s3, s0;
	s1 =	sshll.u32 s1, $0x11  }
0xbc: {  	s0 =	sor.u32 s1, s0  }
0xbd: {  	s0 =	sadd.s32 $0x8F2B, s0  }
0xbe: {  	[sflag:s0] =	ssyncadd.remote.s32 $0x1  }
0xbf: {  	_ =	sfence.sel $0xFFFF  }
0xc0: {  	[dreg:$0x0] =	wrdreg $0xFFFFFFFF;
	(pc) =	sbr.abs _section_cstart, $3  }
0xc1: {  	[dreg:$0x1] =	wrdreg $0xFFFFFFFF  }
0xc2: {  	_ =	task.clear_ibuf [dreg:s7], $0x2FFFF;
	_ =	strace $0x9FFFFFFF  }
0xc3: {  	(tm) =	ssettm $0x7FFFFFFF  }
tec
execute0_lowered:
.L_overlay_start_1:
0x0: {  	(tag) =	ssettag $0x1  }
0x1: {  	s4 =	rddreg [dreg:$0x0]  }
0x2: {  	s1 =	srdreg.scid;
	s6 =	rddreg [dreg:$0x1]  }
0x3: {  	s0 =	stileid.u32;
	s2 =	rddreg [dreg:$0x2];
	s3 =	simm.s32 $0x0  }
0x4: {  	s11 =	simm.s32 $0x2710;
	s12 =	simm.s32 $0x7D0;
	s13 =	simm.s32 $0xBB8  }
0x5: {  	s14 =	simm.s32 $0xFA0;
	s15 =	simm.s32 $0x1388;
	s16 =	simm.s32 $0x1770  }
0x6: {  	s17 =	simm.s32 $0x1B58;
	s18 =	simm.s32 $0x1F40;
	s19 =	simm.s32 $0x2328  }
0x7: {  	s22 =	simm.s32 $0x0;
	s5 =	sand.u32 $0x1, s1;
	s30 =	sshll.u32 s0, $0x1  }
0x8: {  	s8 =	smul.u32 $0x280, s0;
	[smem:$0x7FF] =	sst s3;
	s20 =	sshll.u32 s0, $0x6  }
0x9: {  	s1 =	sor.u32 s5, s30;
	s9 =	ssub.s32 $0x2, s5;
	s5 =	smul.u32 $0x2800, s5  }
0xa: {  	s20 =	sor.u32 $0x1C01, s20;
	s7 =	smul.u32 $0x2710, s1;
	s10 =	sshrl.u32 s9, $0x1  }
0xb: {  	s1 =	rddreg [dreg:$0x3];
	_ =	strace $0x80000047;
	s9 =	ssub.s32 s9, s10  }
0xc: {  	s31 =	sadd.s32 s8, s5;
	s5 =	sadd.s32 s8, s2;
	s7 =	sshrl.u32 s7, $0x3  }
0xd: {  	s8 =	simm.s32 $0x1;
	s10 =	simm.s32 $0x3E8;
	s4 =	sadd.s32 s4, s7  }
0xe: {  	s21 =	sshrl.u32 s5, $0x3;
	s7 =	sshrl.u32 s31, $0x3;
	s4 =	sadd.s32 $0xB640, s4  }
0xf: {  	v0 =	vimm.f32 $1.000000000e+00;
	v1 =	vimm.f32 $0.0e+00;
	s6 =	sadd.s32 s6, s7;
	s7 =	smax.u32 s9, $0x1;
	s9 =	simm.s32 $0x2AF8  }
.LBB2_1:
0x10: {  	[tilespmem:s3], [sflag:$0x1] =	stream.linear.gather [hbm4b:s4+s3], $0x2710, $0x38;
	[tilespmem:$0x2FF8] =	vst v63  }
0x11: {  	_ =	swait.ge [sflag:s8], $0x2710  }
0x12: {  	[sflag:s8] =	ssyncset.done $0x0  }
0x13: {  	s23 =	simm.s32 $0x40;
	s24 =	simm.s32 $0x0;
	[sflag:s8] =	ssyncadd.s32 $0xFFFFD8F0  }
.LBB2_2:
0x14: {  	p0 =	sne.s32 s23, $0xF80;
	[tilespmem:s24+$0x2710] =	vst v0;
	s24 =	smov.u32 s23;
	s23 =	sadd.s32 $0x40, s23  }
.Ltmp0:
0x15: {  	(pc) =	sbr.rel @p0 .LBB2_2-.Ltmp0, $2  }
0x16: {  	_ =	sdelay $0x2  }
0x17: {  	s24 =	sshra.s32 s24, $0x2  }
0x18: {  	[tilespmem:s24+$0x2710] =	vst v0  }
0x19: {  	[tilespmem:$0x2AF8] =	vst v1  }
0x1a: {  	[tilespmem:$0x2B08] =	vst v1  }
0x1b: {  	[tilespmem:$0x2B18] =	vst v1  }
0x1c: {  	[tilespmem:$0x2B28] =	vst v1  }
0x1d: {  	[tilespmem:$0x2B38] =	vst v1  }
0x1e: {  	[tilespmem:$0x2B48] =	vst v1  }
0x1f: {  	[tilespmem:$0x2B58] =	vst v1  }
0x20: {  	[tilespmem:$0x2B68] =	vst v1  }
0x21: {  	[tilespmem:$0x2B78] =	vst v1  }
0x22: {  	[tilespmem:$0x2B88] =	vst v1  }
0x23: {  	[tilespmem:$0x2B98] =	vst v1  }
0x24: {  	[tilespmem:$0x2BA8] =	vst v1  }
0x25: {  	[tilespmem:$0x2BB8] =	vst v1  }
0x26: {  	[tilespmem:$0x2BC8] =	vst v1  }
0x27: {  	[tilespmem:$0x2BD8] =	vst v1  }
0x28: {  	[tilespmem:$0x2BE8] =	vst v1  }
0x29: {  	[tilespmem:$0x2BF8] =	vst v1  }
0x2a: {  	[tilespmem:$0x2C08] =	vst v1  }
0x2b: {  	[tilespmem:$0x2C18] =	vst v1  }
0x2c: {  	[tilespmem:$0x2C28] =	vst v1  }
0x2d: {  	[tilespmem:$0x2C38] =	vst v1  }
0x2e: {  	[tilespmem:$0x2C48] =	vst v1  }
0x2f: {  	[tilespmem:$0x2C58] =	vst v1  }
0x30: {  	[tilespmem:$0x2C68] =	vst v1  }
0x31: {  	[tilespmem:$0x2C78] =	vst v1  }
0x32: {  	[tilespmem:$0x2C88] =	vst v1  }
0x33: {  	[tilespmem:$0x2C98] =	vst v1  }
0x34: {  	[tilespmem:$0x2CA8] =	vst v1  }
0x35: {  	[tilespmem:$0x2CB8] =	vst v1  }
0x36: {  	[tilespmem:$0x2CC8] =	vst v1  }
0x37: {  	[tilespmem:$0x2CD8] =	vst v1  }
0x38: {  	[tilespmem:$0x2CE8] =	vst v1  }
0x39: {  	[tilespmem:$0x2CF8] =	vst v1  }
0x3a: {  	[tilespmem:$0x2D08] =	vst v1  }
0x3b: {  	[tilespmem:$0x2D18] =	vst v1  }
0x3c: {  	[tilespmem:$0x2D28] =	vst v1  }
0x3d: {  	[tilespmem:$0x2D38] =	vst v1  }
0x3e: {  	[tilespmem:$0x2D48] =	vst v1  }
0x3f: {  	[tilespmem:$0x2D58] =	vst v1  }
0x40: {  	[tilespmem:$0x2D68] =	vst v1  }
0x41: {  	[spmem:s5] =	stream.linear.scatter [tilespmem:s9], [sflag:$0x1], $0x280, $0x38;
	[tilespmem:$0x2FF8] =	vst v63  }
0x42: {  	_ =	swait.ge [sflag:s8], $0x280  }
0x43: {  	[sflag:s8] =	ssyncset.done $0x0  }
0x44: {  	[sflag:s8] =	ssyncadd.s32 $0xFFFFFD80  }
0x45: {  	[bflag:$0x0] =	sbarrier.arrive $0xFFFF  }
0x46: {  	[spmem:s2] =	stream.indirect.scatter.add.f32 [tilespmem:s11], [sflag:$0x1], $0x1, s3, s10, $0xb8;
	[tilespmem:$0x2FF8] =	vst v63  }
0x47: {  	_ =	swait.ge [sflag:s8], $0x3E8  }
0x48: {  	[sflag:s8] =	ssyncset.done $0x0  }
0x49: {  	[sflag:s8] =	ssyncadd.s32 $0xFFFFFC18  }
0x4a: {  	[spmem:s2] =	stream.indirect.scatter.add.f32 [tilespmem:s11], [sflag:$0x1], $0x1, s10, s10, $0xb8;
	[tilespmem:$0x2FF8] =	vst v63  }
0x4b: {  	_ =	swait.ge [sflag:s8], $0x3E8  }
0x4c: {  	[sflag:s8] =	ssyncset.done $0x0  }
0x4d: {  	[sflag:s8] =	ssyncadd.s32 $0xFFFFFC18  }
0x4e: {  	[spmem:s2] =	stream.indirect.scatter.add.f32 [tilespmem:s11], [sflag:$0x1], $0x1, s12, s10, $0xb8;
	[tilespmem:$0x2FF8] =	vst v63  }
0x4f: {  	_ =	swait.ge [sflag:s8], $0x3E8  }
0x50: {  	[sflag:s8] =	ssyncset.done $0x0  }
0x51: {  	[sflag:s8] =	ssyncadd.s32 $0xFFFFFC18  }
0x52: {  	[spmem:s2] =	stream.indirect.scatter.add.f32 [tilespmem:s11], [sflag:$0x1], $0x1, s13, s10, $0xb8;
	[tilespmem:$0x2FF8] =	vst v63  }
0x53: {  	_ =	swait.ge [sflag:s8], $0x3E8  }
0x54: {  	[sflag:s8] =	ssyncset.done $0x0  }
0x55: {  	[sflag:s8] =	ssyncadd.s32 $0xFFFFFC18  }
0x56: {  	[spmem:s2] =	stream.indirect.scatter.add.f32 [tilespmem:s11], [sflag:$0x1], $0x1, s14, s10, $0xb8;
	[tilespmem:$0x2FF8] =	vst v63  }
0x57: {  	_ =	swait.ge [sflag:s8], $0x3E8  }
0x58: {  	[sflag:s8] =	ssyncset.done $0x0  }
0x59: {  	[sflag:s8] =	ssyncadd.s32 $0xFFFFFC18  }
0x5a: {  	[spmem:s2] =	stream.indirect.scatter.add.f32 [tilespmem:s11], [sflag:$0x1], $0x1, s15, s10, $0xb8;
	[tilespmem:$0x2FF8] =	vst v63  }
0x5b: {  	_ =	swait.ge [sflag:s8], $0x3E8  }
0x5c: {  	[sflag:s8] =	ssyncset.done $0x0  }
0x5d: {  	[sflag:s8] =	ssyncadd.s32 $0xFFFFFC18  }
0x5e: {  	[spmem:s2] =	stream.indirect.scatter.add.f32 [tilespmem:s11], [sflag:$0x1], $0x1, s16, s10, $0xb8;
	[tilespmem:$0x2FF8] =	vst v63  }
0x5f: {  	_ =	swait.ge [sflag:s8], $0x3E8  }
0x60: {  	[sflag:s8] =	ssyncset.done $0x0  }
0x61: {  	[sflag:s8] =	ssyncadd.s32 $0xFFFFFC18  }
0x62: {  	[spmem:s2] =	stream.indirect.scatter.add.f32 [tilespmem:s11], [sflag:$0x1], $0x1, s17, s10, $0xb8;
	[tilespmem:$0x2FF8] =	vst v63  }
0x63: {  	_ =	swait.ge [sflag:s8], $0x3E8  }
0x64: {  	[sflag:s8] =	ssyncset.done $0x0  }
0x65: {  	[sflag:s8] =	ssyncadd.s32 $0xFFFFFC18  }
0x66: {  	[spmem:s2] =	stream.indirect.scatter.add.f32 [tilespmem:s11], [sflag:$0x1], $0x1, s18, s10, $0xb8;
	[tilespmem:$0x2FF8] =	vst v63  }
0x67: {  	_ =	swait.ge [sflag:s8], $0x3E8  }
0x68: {  	[sflag:s8] =	ssyncset.done $0x0  }
0x69: {  	[sflag:s8] =	ssyncadd.s32 $0xFFFFFC18  }
0x6a: {  	[spmem:s2] =	stream.indirect.scatter.add.f32 [tilespmem:s11], [sflag:$0x1], $0x1, s19, s10, $0xb8;
	[tilespmem:$0x2FF8] =	vst v63  }
0x6b: {  	_ =	swait.ge [sflag:s8], $0x3E8  }
0x6c: {  	s22 =	sadd.s32 $0x1, s22;
	[sflag:s8] =	ssyncset.done $0x0  }
0x6d: {  	p0 =	sne.s32 s22, s7;
	[sflag:s8] =	ssyncadd.s32 $0xFFFFFC18  }
.Ltmp1:
0x6e: {  	[bflag:$0x0] =	sbarrier.arrive $0xFFFF;
	(pc) =	sbr.rel @p0 .LBB2_1-.Ltmp1, $4  }
0x6f: {  	[hbm:s6], [sflag:s20] =	dma.local [spmem:s21], $0x50  }
0x70: {  	_ =	swait.ge [sflag:s8], $0x50  }
0x71: {  	[sflag:s8] =	ssyncset.done $0x0  }
0x72: {  	[sflag:s8] =	ssyncadd.s32 $0xFFFFFFB0  }
0x73: {  	_ =	sfence.sel $0x180000  }
0x74: {  	[bflag:$0x0] =	sbarrier.arrive $0xFFFF  }
0x75: {  	p0 =	sne.s32 s0, $0x0;
	_ =	strace $0x90000047  }
0x76: {  	s0 =	sadd.s32 @!p0 $0x100000, s1;
	[bflag:$0x2] =	sbarrier.arrive $0xFFFF  }
0x77: {  	[sflag:s0] =	ssyncadd.tile.s32 @!p0 $0x1;
	_ =	shalt  }
.Lfunc_end2:
_tile_overlayer_lowered:
.L_overlay_start_2:
0x78: {  	(tag) =	ssettag $0x2  }
0x79: {  	s0 =	rddreg [dreg:$0x0];
	s2 =	stileid.u32  }
0x7a: {  	s1 =	rddreg [dreg:$0x1];
	p0 =	sne.s32 s2, $0x0  }
0x7b: {  	s3 =	rddreg [dreg:$0x2];
	[bflag:$0x3] =	sbarrier.arrive $0xFFFF;
	s2 =	simm.s32 @!p0 $0x1C01  }
0x7c: {  	[timem:s3], [sflag:s2] =	dma.local @!p0 [hbm:s0], s1  }
0x7d: {  	s0 =	simm.s32 @!p0 $0x1  }
0x7e: {  	_ =	swait.ge @!p0 [sflag:s0], s1  }
0x7f: {  	s1 =	ssub.s32 @!p0 $0x0, s1;
	[sflag:s0] =	ssyncset.done @!p0 $0x0  }
0x80: {  	[sflag:s0] =	ssyncadd.s32 @!p0 s1  }
0x81: {  	[bflag:$0x3] =	sbarrier.arrive $0xFFFF  }
0x82: {  	_ =	shalt  }

</sc_bundles>
